<compile_context>
chip_gen: v7x
topology: tpu7x:2x2x1
jax: 0.10.2.dev20260603
libtpu: 0.0.44.dev20260713+nightly
codegen_flags: <defaults>
</compile_context>

<pallas_src>
import functools
import math

import jax
import jax.numpy as jnp
from jax import lax
from jax.experimental import pallas as pl
from jax.experimental.pallas import tpu as pltpu
from jax.experimental.pallas import tpu_sc as plsc

D_MODEL = 64
MAX_LEN = 50

NUM_CORES = 2
NUM_SUBCORES = 16
NW = NUM_CORES * NUM_SUBCORES
LANES = 16


def _build_sin_pos(max_len, d_model):
    position = jnp.arange(0, max_len, dtype=jnp.float32)[:, None]
    div_term = jnp.exp(
        jnp.arange(0, d_model, 2, dtype=jnp.float32)
        * (-math.log(10000.0) / d_model)
    )
    pe = jnp.zeros((max_len, d_model), dtype=jnp.float32)
    pe = pe.at[:, 0::2].set(jnp.sin(position * div_term))
    pe = pe.at[:, 1::2].set(jnp.cos(position * div_term))
    return pe


@functools.lru_cache(maxsize=None)
def _make_sc_kernel(N, D, T, chunk):
    assert N % NW == 0
    b_per_w = N // NW
    assert b_per_w % chunk == 0
    nchunk = b_per_w // chunk
    assert nchunk % 2 == 0
    assert chunk % T == 0 and b_per_w % T == 0
    assert D % LANES == 0
    dsub = D // LANES
    reps = chunk // T

    mesh = plsc.VectorSubcoreMesh(
        core_axis_name="c", subcore_axis_name="s",
        num_cores=NUM_CORES, num_subcores=NUM_SUBCORES)

    @functools.partial(
        pl.kernel,
        out_type=jax.ShapeDtypeStruct((N, D), jnp.float32),
        mesh=mesh,
        compiler_params=pltpu.CompilerParams(use_tc_tiling_on_sc=False),
        scratch_types=[
            pltpu.VMEM((b_per_w,), jnp.int32),
            pltpu.VMEM((chunk, D), jnp.float32),
            pltpu.VMEM((chunk, D), jnp.float32),
            pltpu.VMEM((T, D), jnp.float32),
            pltpu.SemaphoreType.DMA,
            pltpu.SemaphoreType.DMA,
            pltpu.SemaphoreType.DMA,
            pltpu.SemaphoreType.DMA,
        ],
    )
    def sc_kernel(table_hbm, idx_hbm, pos_hbm, out_hbm,
                  idx_v, rows0, rows1, pos_v,
                  gsem0, gsem1, wsem0, wsem1):
        wid = lax.axis_index("s") * NUM_CORES + lax.axis_index("c")
        base = wid * b_per_w
        rows = (rows0, rows1)
        gsems = (gsem0, gsem1)
        wsems = (wsem0, wsem1)

        pltpu.sync_copy(idx_hbm.at[pl.ds(base, b_per_w)], idx_v)
        pltpu.sync_copy(pos_hbm, pos_v)

        def issue_gather(c, b):
            pltpu.async_copy(
                table_hbm.at[idx_v.at[pl.ds(c * chunk, chunk)]],
                rows[b], gsems[b])

        def wait_gather(b):
            pltpu.make_async_copy(
                out_hbm.at[pl.ds(0, chunk)], rows[b], gsems[b]).wait()

        def issue_wb(c, b):
            pltpu.async_copy(
                rows[b], out_hbm.at[pl.ds(base + c * chunk, chunk)],
                wsems[b])

        def wait_wb(b):
            pltpu.make_async_copy(
                rows[b], out_hbm.at[pl.ds(0, chunk)], wsems[b]).wait()

        def add_pos(rows_ref):
            @pl.loop(0, T)
            def _(t):
                pvecs = [pos_v[t, pl.ds(d * LANES, LANES)]
                         for d in range(dsub)]
                for rep in range(reps):
                    r = t + T * rep
                    for d in range(dsub):
                        sl = pl.ds(d * LANES, LANES)
                        rows_ref[r, sl] += pvecs[d]

        issue_gather(0, 0)

        @pl.loop(0, nchunk // 2)
        def _(i):
            for b in range(2):
                c = i * 2 + b
                nb = 1 - b

                @pl.when(c > 0)
                def _():
                    wait_wb(nb)

                @pl.when(c + 1 < nchunk)
                def _():
                    issue_gather(c + 1, nb)

                wait_gather(b)
                add_pos(rows[b])
                issue_wb(c, b)

        wait_wb(1)

    return sc_kernel


def kernel(tokens, table):
    B, T = tokens.shape
    V, D = table.shape
    N = B * T
    idx = tokens.reshape(N).astype(jnp.int32)
    pos = _build_sin_pos(MAX_LEN, D)[:T, :]
    chunk = 8 * T
    sc = _make_sc_kernel(N, D, T, chunk)
    out = sc(table, idx, pos)
    return out.reshape(B, T, D)

# --- scband reference (transcript-rebuilt; emitter-appended) ---
"""Pipeline reference for scband-decoder-embeddings-22565758173642 (READ-ONLY COPY).

The authoritative reference and input builder live on the scoring server;
editing this copy changes nothing except your own understanding.
"""

import jax, jax.numpy as jnp
import numpy as np
import math

VOCAB = 1000000
D_MODEL = 64
MAX_LEN = 50
PAD_IDX = 0
B = 4096
T = 50


def _build_sin_pos(max_len, d_model):
    position = jnp.arange(0, max_len, dtype=jnp.float32)[:, None]
    div_term = jnp.exp(jnp.arange(0, d_model, 2, dtype=jnp.float32) * (-math.log(10000.0) / d_model))
    pe = jnp.zeros((max_len, d_model), dtype=jnp.float32)
    pe = pe.at[:, 0::2].set(jnp.sin(position * div_term))
    pe = pe.at[:, 1::2].set(jnp.cos(position * div_term))
    return pe


def setup_inputs(seed: int = 0) -> dict:
    key = jax.random.key(seed)
    k_tok, k_tab = jax.random.split(key)
    tokens = jax.random.randint(k_tok, (B, T), 0, VOCAB, dtype=jnp.int64 if jax.config.jax_enable_x64 else jnp.int32)
    table = jax.random.normal(k_tab, (VOCAB, D_MODEL), dtype=jnp.float32)
    # nn.Embedding(padding_idx=0) initializes the pad row to zeros
    table = table.at[PAD_IDX].set(0.0)
    return {"tokens": tokens, "table": table}


def reference(tokens, table):
    T_cur = tokens.shape[1]
    pos_embed = _build_sin_pos(MAX_LEN, D_MODEL)
    tok = jnp.take(table, tokens, axis=0)  # [B, T, d_model] embedding gather
    pos = pos_embed[:T_cur, :][None, :, :]  # [1, T, d_model]
    return tok + pos

if __name__ == "__main__":
    import jax
    _d = setup_inputs()
    print(jax.jit(kernel)(*tuple(_d.values())))

</pallas_src>

<mosaic_0001>
#map = affine_map<(d0, d1) -> (0, 0)>
#map1 = affine_map<(d0, d1) -> (0)>
module attributes {stable_mosaic.version = 14 : i64} {
  func.func @sc_kernel(%arg0: i32, %arg1: i32, %arg2: memref<1000000x64xf32, #tpu.memory_space<hbm>>, %arg3: memref<204800xi32, #tpu.memory_space<hbm>>, %arg4: memref<50x64xf32, #tpu.memory_space<hbm>>, %arg5: memref<204800x64xf32, #tpu.memory_space<hbm>>, %arg6: memref<6400xi32, #tpu.memory_space<vmem>>, %arg7: memref<400x64xf32, #tpu.memory_space<vmem>>, %arg8: memref<400x64xf32, #tpu.memory_space<vmem>>, %arg9: memref<50x64xf32, #tpu.memory_space<vmem>>, %arg10: memref<!tpu.dma_semaphore, #tpu.memory_space<semaphore_mem>>, %arg11: memref<!tpu.dma_semaphore, #tpu.memory_space<semaphore_mem>>, %arg12: memref<!tpu.dma_semaphore, #tpu.memory_space<semaphore_mem>>, %arg13: memref<!tpu.dma_semaphore, #tpu.memory_space<semaphore_mem>>) attributes {dimension_semantics = [#tpu.dimension_semantics<core_parallel>, #tpu.dimension_semantics<subcore_parallel>], iteration_bounds = array<i64: 2, 16>, scalar_prefetch = 0 : i64, scratch_operands = 8 : i64, tpu.core_type = #tpu.core_type<sc_vector_subcore>, window_params = [{transform_indices = #map}, {transform_indices = #map1}, {transform_indices = #map}, {transform_indices = #map}]} {
    %mul3A = arith.constant 2 : i32
    %mul3A_0 = arith.muli %arg1, %mul3A : i32
    %add3A = arith.addi %mul3A_0, %arg0 : i32
    %mul3A_1 = arith.constant 6400 : i32
    %mul3A_2 = arith.muli %add3A, %mul3A_1 : i32
    "tpu.region"() ({
      %run_scoped3A = tpu.sem_alloc : memref<!tpu.dma_semaphore, #tpu.memory_space<semaphore_mem>>
      %dma_start3A_16 = tpu.memref_slice %arg3[%mul3A_2] : memref<204800xi32, #tpu.memory_space<hbm>> -> memref<6400xi32, #tpu.memory_space<hbm>>
      %dma_start3A_17 = tpu.memref_slice %arg3[%mul3A_2] : memref<204800xi32, #tpu.memory_space<hbm>> -> memref<6400xi32, #tpu.memory_space<hbm>>
      tpu.enqueue_dma source(%dma_start3A_17 : memref<6400xi32, #tpu.memory_space<hbm>>) target(%arg6 : memref<6400xi32, #tpu.memory_space<vmem>>) target_semaphore(%run_scoped3A : memref<!tpu.dma_semaphore, #tpu.memory_space<semaphore_mem>>)
      %dma_wait3A_18 = tpu.memref_slice %arg3[%mul3A_2] : memref<204800xi32, #tpu.memory_space<hbm>> -> memref<6400xi32, #tpu.memory_space<hbm>>
      %dma_wait3A_19 = tpu.memref_slice %arg3[%mul3A_2] : memref<204800xi32, #tpu.memory_space<hbm>> -> memref<6400xi32, #tpu.memory_space<hbm>>
      tpu.wait_dma2 semaphore(%run_scoped3A : memref<!tpu.dma_semaphore, #tpu.memory_space<semaphore_mem>>) src(%dma_wait3A_19 : memref<6400xi32, #tpu.memory_space<hbm>>) dst(%arg6 : memref<6400xi32, #tpu.memory_space<vmem>>)
      tpu.yield
    }) : () -> ()
    "tpu.region"() ({
      %run_scoped3A = tpu.sem_alloc : memref<!tpu.dma_semaphore, #tpu.memory_space<semaphore_mem>>
      tpu.enqueue_dma source(%arg4 : memref<50x64xf32, #tpu.memory_space<hbm>>) target(%arg9 : memref<50x64xf32, #tpu.memory_space<vmem>>) target_semaphore(%run_scoped3A : memref<!tpu.dma_semaphore, #tpu.memory_space<semaphore_mem>>)
      tpu.wait_dma2 semaphore(%run_scoped3A : memref<!tpu.dma_semaphore, #tpu.memory_space<semaphore_mem>>) src(%arg4 : memref<50x64xf32, #tpu.memory_space<hbm>>) dst(%arg9 : memref<50x64xf32, #tpu.memory_space<vmem>>)
      tpu.yield
    }) : () -> ()
    %dma_start3A = arith.constant 0 : i32
    %dma_start3A_3 = tpu.memref_slice %arg6[%dma_start3A] : memref<6400xi32, #tpu.memory_space<vmem>> -> memref<400xi32, #tpu.memory_space<vmem>>
    %dma_start3A_4 = arith.constant 0 : i32
    %dma_start3A_5 = arith.constant 0 : i32
    %dma_start3A_6 = tpu.memref_slice %arg2[%dma_start3A_4, %dma_start3A_5] : memref<1000000x64xf32, #tpu.memory_space<hbm>> -> memref<1000000x64xf32, #tpu.memory_space<hbm>>
    tpu.enqueue_indirect_dma source(%dma_start3A_6 : memref<1000000x64xf32, #tpu.memory_space<hbm>>) target(%arg7 : memref<400x64xf32, #tpu.memory_space<vmem>>) offsets(%dma_start3A_3 : memref<400xi32, #tpu.memory_space<vmem>>) semaphore(%arg10 : memref<!tpu.dma_semaphore, #tpu.memory_space<semaphore_mem>>)
    %scan3A = arith.constant 0 : i32
    %scan3A_7 = arith.constant 8 : i32
    %scan3A_8 = arith.addi %scan3A, %scan3A_7 : i32
    %scan3A_9 = arith.constant 1 : i32
    scf.for %scan3A_16 = %scan3A to %scan3A_8 step %scan3A_9  : i32 {
      %mul3A_17 = arith.constant 1 : i32
      %mul3A_18 = arith.muli %scan3A_16, %mul3A_17 : i32
      %add3A_19 = arith.constant 0 : i32
      %add3A_20 = arith.addi %add3A_19, %mul3A_18 : i32
      %mul3A_21 = arith.constant 2 : i32
      %mul3A_22 = arith.muli %add3A_20, %mul3A_21 : i32
      %add3A_23 = arith.constant 0 : i32
      %add3A_24 = arith.addi %mul3A_22, %add3A_23 : i32
      %gt3A = arith.constant 0 : i32
      %gt3A_25 = arith.cmpi sgt, %add3A_24, %gt3A : i32
      %convert_element_type3A = arith.extui %gt3A_25 : i1 to i32
      %cond3A = arith.constant 0 : i32
      %cond3A_26 = arith.cmpi ne, %convert_element_type3A, %cond3A : i32
      scf.if %cond3A_26 {
        %dma_wait3A_85 = arith.constant 0 : i32
        %dma_wait3A_86 = arith.constant 0 : i32
        %dma_wait3A_87 = tpu.memref_slice %arg5[%dma_wait3A_85, %dma_wait3A_86] : memref<204800x64xf32, #tpu.memory_space<hbm>> -> memref<400x64xf32, #tpu.memory_space<hbm>>
        %dma_wait3A_88 = arith.constant 0 : i32
        %dma_wait3A_89 = arith.constant 0 : i32
        %dma_wait3A_90 = tpu.memref_slice %arg5[%dma_wait3A_88, %dma_wait3A_89] : memref<204800x64xf32, #tpu.memory_space<hbm>> -> memref<400x64xf32, #tpu.memory_space<hbm>>
        tpu.wait_dma2 semaphore(%arg13 : memref<!tpu.dma_semaphore, #tpu.memory_space<semaphore_mem>>) src(%arg8 : memref<400x64xf32, #tpu.memory_space<vmem>>) dst(%dma_wait3A_90 : memref<400x64xf32, #tpu.memory_space<hbm>>)
      } else {
      }
      %add3A_27 = arith.constant 1 : i32
      %add3A_28 = arith.addi %add3A_24, %add3A_27 : i32
      %lt3A = arith.constant 16 : i32
      %lt3A_29 = arith.cmpi slt, %add3A_28, %lt3A : i32
      %convert_element_type3A_30 = arith.extui %lt3A_29 : i1 to i32
      %cond3A_31 = arith.constant 0 : i32
      %cond3A_32 = arith.cmpi ne, %convert_element_type3A_30, %cond3A_31 : i32
      scf.if %cond3A_32 {
        %add3A_85 = arith.constant 1 : i32
        %add3A_86 = arith.addi %add3A_24, %add3A_85 : i32
        %mul3A_87 = arith.constant 400 : i32
        %mul3A_88 = arith.muli %add3A_86, %mul3A_87 : i32
        %dma_start3A_89 = tpu.memref_slice %arg6[%mul3A_88] : memref<6400xi32, #tpu.memory_space<vmem>> -> memref<400xi32, #tpu.memory_space<vmem>>
        %dma_start3A_90 = arith.constant 0 : i32
        %dma_start3A_91 = arith.constant 0 : i32
        %dma_start3A_92 = tpu.memref_slice %arg2[%dma_start3A_90, %dma_start3A_91] : memref<1000000x64xf32, #tpu.memory_space<hbm>> -> memref<1000000x64xf32, #tpu.memory_space<hbm>>
        tpu.enqueue_indirect_dma source(%dma_start3A_92 : memref<1000000x64xf32, #tpu.memory_space<hbm>>) target(%arg8 : memref<400x64xf32, #tpu.memory_space<vmem>>) offsets(%dma_start3A_89 : memref<400xi32, #tpu.memory_space<vmem>>) semaphore(%arg11 : memref<!tpu.dma_semaphore, #tpu.memory_space<semaphore_mem>>)
      } else {
      }
      %dma_wait3A_33 = arith.constant 0 : i32
      %dma_wait3A_34 = arith.constant 0 : i32
      %dma_wait3A_35 = tpu.memref_slice %arg5[%dma_wait3A_33, %dma_wait3A_34] : memref<204800x64xf32, #tpu.memory_space<hbm>> -> memref<400x64xf32, #tpu.memory_space<hbm>>
      %dma_wait3A_36 = arith.constant 0 : i32
      %dma_wait3A_37 = arith.constant 0 : i32
      %dma_wait3A_38 = tpu.memref_slice %arg5[%dma_wait3A_36, %dma_wait3A_37] : memref<204800x64xf32, #tpu.memory_space<hbm>> -> memref<400x64xf32, #tpu.memory_space<hbm>>
      tpu.wait_dma2 semaphore(%arg10 : memref<!tpu.dma_semaphore, #tpu.memory_space<semaphore_mem>>) src(%dma_wait3A_38 : memref<400x64xf32, #tpu.memory_space<hbm>>) dst(%arg7 : memref<400x64xf32, #tpu.memory_space<vmem>>)
      %scan3A_39 = arith.constant 0 : i32
      %scan3A_40 = arith.constant 50 : i32
      %scan3A_41 = arith.addi %scan3A_39, %scan3A_40 : i32
      %scan3A_42 = arith.constant 1 : i32
      scf.for %scan3A_85 = %scan3A_39 to %scan3A_41 step %scan3A_42  : i32 {
        %mul3A_86 = arith.constant 1 : i32
        %mul3A_87 = arith.muli %scan3A_85, %mul3A_86 : i32
        %add3A_88 = arith.constant 0 : i32
        %add3A_89 = arith.addi %add3A_88, %mul3A_87 : i32
        %get3A = arith.index_cast %add3A_89 : i32 to index
        %get3A_90 = arith.constant 0 : index
        %get3A_91 = tpu.vector_load %arg9[%get3A, %get3A_90] {strides = array<i32>} : memref<50x64xf32, #tpu.memory_space<vmem>>, vector<1x16xf32>,
        %get3A_92 = vector.shape_cast %get3A_91 : vector<1x16xf32> to vector<16xf32>
        %get3A_93 = arith.index_cast %add3A_89 : i32 to index
        %get3A_94 = arith.constant 16 : index
        %get3A_95 = tpu.vector_load %arg9[%get3A_93, %get3A_94] {strides = array<i32>} : memref<50x64xf32, #tpu.memory_space<vmem>>, vector<1x16xf32>,
        %get3A_96 = vector.shape_cast %get3A_95 : vector<1x16xf32> to vector<16xf32>
        %get3A_97 = arith.index_cast %add3A_89 : i32 to index
        %get3A_98 = arith.constant 32 : index
        %get3A_99 = tpu.vector_load %arg9[%get3A_97, %get3A_98] {strides = array<i32>} : memref<50x64xf32, #tpu.memory_space<vmem>>, vector<1x16xf32>,
        %get3A_100 = vector.shape_cast %get3A_99 : vector<1x16xf32> to vector<16xf32>
        %get3A_101 = arith.index_cast %add3A_89 : i32 to index
        %get3A_102 = arith.constant 48 : index
        %get3A_103 = tpu.vector_load %arg9[%get3A_101, %get3A_102] {strides = array<i32>} : memref<50x64xf32, #tpu.memory_space<vmem>>, vector<1x16xf32>,
        %get3A_104 = vector.shape_cast %get3A_103 : vector<1x16xf32> to vector<16xf32>
        %add3A_105 = arith.constant 0 : i32
        %add3A_106 = arith.addi %add3A_89, %add3A_105 : i32
        %get3A_107 = arith.index_cast %add3A_106 : i32 to index
        %get3A_108 = arith.constant 0 : index
        %get3A_109 = tpu.vector_load %arg7[%get3A_107, %get3A_108] {strides = array<i32>} : memref<400x64xf32, #tpu.memory_space<vmem>>, vector<1x16xf32>,
        %get3A_110 = vector.shape_cast %get3A_109 : vector<1x16xf32> to vector<16xf32>
        %add3A_111 = arith.addf %get3A_110, %get3A_92 : vector<16xf32>
        %swap3A = arith.index_cast %add3A_106 : i32 to index
        %swap3A_112 = arith.constant 0 : index
        %swap3A_113 = tpu.vector_load %arg7[%swap3A, %swap3A_112] {strides = array<i32>} : memref<400x64xf32, #tpu.memory_space<vmem>>, vector<1x16xf32>,
        %swap3A_114 = vector.shape_cast %swap3A_113 : vector<1x16xf32> to vector<16xf32>
        %swap3A_115 = vector.shape_cast %add3A_111 : vector<16xf32> to vector<1x16xf32>
        tpu.vector_store %arg7[%swap3A, %swap3A_112], %swap3A_115 {strides = array<i32>} : memref<400x64xf32, #tpu.memory_space<vmem>>, vector<1x16xf32>,
        %get3A_116 = arith.index_cast %add3A_106 : i32 to index
        %get3A_117 = arith.constant 16 : index
        %get3A_118 = tpu.vector_load %arg7[%get3A_116, %get3A_117] {strides = array<i32>} : memref<400x64xf32, #tpu.memory_space<vmem>>, vector<1x16xf32>,
        %get3A_119 = vector.shape_cast %get3A_118 : vector<1x16xf32> to vector<16xf32>
        %add3A_120 = arith.addf %get3A_119, %get3A_96 : vector<16xf32>
        %swap3A_121 = arith.index_cast %add3A_106 : i32 to index
        %swap3A_122 = arith.constant 16 : index
        %swap3A_123 = tpu.vector_load %arg7[%swap3A_121, %swap3A_122] {strides = array<i32>} : memref<400x64xf32, #tpu.memory_space<vmem>>, vector<1x16xf32>,
        %swap3A_124 = vector.shape_cast %swap3A_123 : vector<1x16xf32> to vector<16xf32>
        %swap3A_125 = vector.shape_cast %add3A_120 : vector<16xf32> to vector<1x16xf32>
        tpu.vector_store %arg7[%swap3A_121, %swap3A_122], %swap3A_125 {strides = array<i32>} : memref<400x64xf32, #tpu.memory_space<vmem>>, vector<1x16xf32>,
        %get3A_126 = arith.index_cast %add3A_106 : i32 to index
        %get3A_127 = arith.constant 32 : index
        %get3A_128 = tpu.vector_load %arg7[%get3A_126, %get3A_127] {strides = array<i32>} : memref<400x64xf32, #tpu.memory_space<vmem>>, vector<1x16xf32>,
        %get3A_129 = vector.shape_cast %get3A_128 : vector<1x16xf32> to vector<16xf32>
        %add3A_130 = arith.addf %get3A_129, %get3A_100 : vector<16xf32>
        %swap3A_131 = arith.index_cast %add3A_106 : i32 to index
        %swap3A_132 = arith.constant 32 : index
        %swap3A_133 = tpu.vector_load %arg7[%swap3A_131, %swap3A_132] {strides = array<i32>} : memref<400x64xf32, #tpu.memory_space<vmem>>, vector<1x16xf32>,
        %swap3A_134 = vector.shape_cast %swap3A_133 : vector<1x16xf32> to vector<16xf32>
        %swap3A_135 = vector.shape_cast %add3A_130 : vector<16xf32> to vector<1x16xf32>
        tpu.vector_store %arg7[%swap3A_131, %swap3A_132], %swap3A_135 {strides = array<i32>} : memref<400x64xf32, #tpu.memory_space<vmem>>, vector<1x16xf32>,
        %get3A_136 = arith.index_cast %add3A_106 : i32 to index
        %get3A_137 = arith.constant 48 : index
        %get3A_138 = tpu.vector_load %arg7[%get3A_136, %get3A_137] {strides = array<i32>} : memref<400x64xf32, #tpu.memory_space<vmem>>, vector<1x16xf32>,
        %get3A_139 = vector.shape_cast %get3A_138 : vector<1x16xf32> to vector<16xf32>
        %add3A_140 = arith.addf %get3A_139, %get3A_104 : vector<16xf32>
        %swap3A_141 = arith.index_cast %add3A_106 : i32 to index
        %swap3A_142 = arith.constant 48 : index
        %swap3A_143 = tpu.vector_load %arg7[%swap3A_141, %swap3A_142] {strides = array<i32>} : memref<400x64xf32, #tpu.memory_space<vmem>>, vector<1x16xf32>,
        %swap3A_144 = vector.shape_cast %swap3A_143 : vector<1x16xf32> to vector<16xf32>
        %swap3A_145 = vector.shape_cast %add3A_140 : vector<16xf32> to vector<1x16xf32>
        tpu.vector_store %arg7[%swap3A_141, %swap3A_142], %swap3A_145 {strides = array<i32>} : memref<400x64xf32, #tpu.memory_space<vmem>>, vector<1x16xf32>,
        %add3A_146 = arith.constant 50 : i32
        %add3A_147 = arith.addi %add3A_89, %add3A_146 : i32
        %get3A_148 = arith.index_cast %add3A_147 : i32 to index
        %get3A_149 = arith.constant 0 : index
        %get3A_150 = tpu.vector_load %arg7[%get3A_148, %get3A_149] {strides = array<i32>} : memref<400x64xf32, #tpu.memory_space<vmem>>, vector<1x16xf32>,
        %get3A_151 = vector.shape_cast %get3A_150 : vector<1x16xf32> to vector<16xf32>
        %add3A_152 = arith.addf %get3A_151, %get3A_92 : vector<16xf32>
        %swap3A_153 = arith.index_cast %add3A_147 : i32 to index
        %swap3A_154 = arith.constant 0 : index
        %swap3A_155 = tpu.vector_load %arg7[%swap3A_153, %swap3A_154] {strides = array<i32>} : memref<400x64xf32, #tpu.memory_space<vmem>>, vector<1x16xf32>,
        %swap3A_156 = vector.shape_cast %swap3A_155 : vector<1x16xf32> to vector<16xf32>
        %swap3A_157 = vector.shape_cast %add3A_152 : vector<16xf32> to vector<1x16xf32>
        tpu.vector_store %arg7[%swap3A_153, %swap3A_154], %swap3A_157 {strides = array<i32>} : memref<400x64xf32, #tpu.memory_space<vmem>>, vector<1x16xf32>,
        %get3A_158 = arith.index_cast %add3A_147 : i32 to index
        %get3A_159 = arith.constant 16 : index
        %get3A_160 = tpu.vector_load %arg7[%get3A_158, %get3A_159] {strides = array<i32>} : memref<400x64xf32, #tpu.memory_space<vmem>>, vector<1x16xf32>,
        %get3A_161 = vector.shape_cast %get3A_160 : vector<1x16xf32> to vector<16xf32>
        %add3A_162 = arith.addf %get3A_161, %get3A_96 : vector<16xf32>
        %swap3A_163 = arith.index_cast %add3A_147 : i32 to index
        %swap3A_164 = arith.constant 16 : index
        %swap3A_165 = tpu.vector_load %arg7[%swap3A_163, %swap3A_164] {strides = array<i32>} : memref<400x64xf32, #tpu.memory_space<vmem>>, vector<1x16xf32>,
        %swap3A_166 = vector.shape_cast %swap3A_165 : vector<1x16xf32> to vector<16xf32>
        %swap3A_167 = vector.shape_cast %add3A_162 : vector<16xf32> to vector<1x16xf32>
        tpu.vector_store %arg7[%swap3A_163, %swap3A_164], %swap3A_167 {strides = array<i32>} : memref<400x64xf32, #tpu.memory_space<vmem>>, vector<1x16xf32>,
        %get3A_168 = arith.index_cast %add3A_147 : i32 to index
        %get3A_169 = arith.constant 32 : index
        %get3A_170 = tpu.vector_load %arg7[%get3A_168, %get3A_169] {strides = array<i32>} : memref<400x64xf32, #tpu.memory_space<vmem>>, vector<1x16xf32>,
        %get3A_171 = vector.shape_cast %get3A_170 : vector<1x16xf32> to vector<16xf32>
        %add3A_172 = arith.addf %get3A_171, %get3A_100 : vector<16xf32>
        %swap3A_173 = arith.index_cast %add3A_147 : i32 to index
        %swap3A_174 = arith.constant 32 : index
        %swap3A_175 = tpu.vector_load %arg7[%swap3A_173, %swap3A_174] {strides = array<i32>} : memref<400x64xf32, #tpu.memory_space<vmem>>, vector<1x16xf32>,
        %swap3A_176 = vector.shape_cast %swap3A_175 : vector<1x16xf32> to vector<16xf32>
        %swap3A_177 = vector.shape_cast %add3A_172 : vector<16xf32> to vector<1x16xf32>
        tpu.vector_store %arg7[%swap3A_173, %swap3A_174], %swap3A_177 {strides = array<i32>} : memref<400x64xf32, #tpu.memory_space<vmem>>, vector<1x16xf32>,
        %get3A_178 = arith.index_cast %add3A_147 : i32 to index
        %get3A_179 = arith.constant 48 : index
        %get3A_180 = tpu.vector_load %arg7[%get3A_178, %get3A_179] {strides = array<i32>} : memref<400x64xf32, #tpu.memory_space<vmem>>, vector<1x16xf32>,
        %get3A_181 = vector.shape_cast %get3A_180 : vector<1x16xf32> to vector<16xf32>
        %add3A_182 = arith.addf %get3A_181, %get3A_104 : vector<16xf32>
        %swap3A_183 = arith.index_cast %add3A_147 : i32 to index
        %swap3A_184 = arith.constant 48 : index
        %swap3A_185 = tpu.vector_load %arg7[%swap3A_183, %swap3A_184] {strides = array<i32>} : memref<400x64xf32, #tpu.memory_space<vmem>>, vector<1x16xf32>,
        %swap3A_186 = vector.shape_cast %swap3A_185 : vector<1x16xf32> to vector<16xf32>
        %swap3A_187 = vector.shape_cast %add3A_182 : vector<16xf32> to vector<1x16xf32>
        tpu.vector_store %arg7[%swap3A_183, %swap3A_184], %swap3A_187 {strides = array<i32>} : memref<400x64xf32, #tpu.memory_space<vmem>>, vector<1x16xf32>,
        %add3A_188 = arith.constant 100 : i32
        %add3A_189 = arith.addi %add3A_89, %add3A_188 : i32
        %get3A_190 = arith.index_cast %add3A_189 : i32 to index
        %get3A_191 = arith.constant 0 : index
        %get3A_192 = tpu.vector_load %arg7[%get3A_190, %get3A_191] {strides = array<i32>} : memref<400x64xf32, #tpu.memory_space<vmem>>, vector<1x16xf32>,
        %get3A_193 = vector.shape_cast %get3A_192 : vector<1x16xf32> to vector<16xf32>
        %add3A_194 = arith.addf %get3A_193, %get3A_92 : vector<16xf32>
        %swap3A_195 = arith.index_cast %add3A_189 : i32 to index
        %swap3A_196 = arith.constant 0 : index
        %swap3A_197 = tpu.vector_load %arg7[%swap3A_195, %swap3A_196] {strides = array<i32>} : memref<400x64xf32, #tpu.memory_space<vmem>>, vector<1x16xf32>,
        %swap3A_198 = vector.shape_cast %swap3A_197 : vector<1x16xf32> to vector<16xf32>
        %swap3A_199 = vector.shape_cast %add3A_194 : vector<16xf32> to vector<1x16xf32>
        tpu.vector_store %arg7[%swap3A_195, %swap3A_196], %swap3A_199 {strides = array<i32>} : memref<400x64xf32, #tpu.memory_space<vmem>>, vector<1x16xf32>,
        %get3A_200 = arith.index_cast %add3A_189 : i32 to index
        %get3A_201 = arith.constant 16 : index
        %get3A_202 = tpu.vector_load %arg7[%get3A_200, %get3A_201] {strides = array<i32>} : memref<400x64xf32, #tpu.memory_space<vmem>>, vector<1x16xf32>,
        %get3A_203 = vector.shape_cast %get3A_202 : vector<1x16xf32> to vector<16xf32>
        %add3A_204 = arith.addf %get3A_203, %get3A_96 : vector<16xf32>
        %swap3A_205 = arith.index_cast %add3A_189 : i32 to index
        %swap3A_206 = arith.constant 16 : index
        %swap3A_207 = tpu.vector_load %arg7[%swap3A_205, %swap3A_206] {strides = array<i32>} : memref<400x64xf32, #tpu.memory_space<vmem>>, vector<1x16xf32>,
        %swap3A_208 = vector.shape_cast %swap3A_207 : vector<1x16xf32> to vector<16xf32>
        %swap3A_209 = vector.shape_cast %add3A_204 : vector<16xf32> to vector<1x16xf32>
        tpu.vector_store %arg7[%swap3A_205, %swap3A_206], %swap3A_209 {strides = array<i32>} : memref<400x64xf32, #tpu.memory_space<vmem>>, vector<1x16xf32>,
        %get3A_210 = arith.index_cast %add3A_189 : i32 to index
        %get3A_211 = arith.constant 32 : index
        %get3A_212 = tpu.vector_load %arg7[%get3A_210, %get3A_211] {strides = array<i32>} : memref<400x64xf32, #tpu.memory_space<vmem>>, vector<1x16xf32>,
        %get3A_213 = vector.shape_cast %get3A_212 : vector<1x16xf32> to vector<16xf32>
        %add3A_214 = arith.addf %get3A_213, %get3A_100 : vector<16xf32>
        %swap3A_215 = arith.index_cast %add3A_189 : i32 to index
        %swap3A_216 = arith.constant 32 : index
        %swap3A_217 = tpu.vector_load %arg7[%swap3A_215, %swap3A_216] {strides = array<i32>} : memref<400x64xf32, #tpu.memory_space<vmem>>, vector<1x16xf32>,
        %swap3A_218 = vector.shape_cast %swap3A_217 : vector<1x16xf32> to vector<16xf32>
        %swap3A_219 = vector.shape_cast %add3A_214 : vector<16xf32> to vector<1x16xf32>
        tpu.vector_store %arg7[%swap3A_215, %swap3A_216], %swap3A_219 {strides = array<i32>} : memref<400x64xf32, #tpu.memory_space<vmem>>, vector<1x16xf32>,
        %get3A_220 = arith.index_cast %add3A_189 : i32 to index
        %get3A_221 = arith.constant 48 : index
        %get3A_222 = tpu.vector_load %arg7[%get3A_220, %get3A_221] {strides = array<i32>} : memref<400x64xf32, #tpu.memory_space<vmem>>, vector<1x16xf32>,
        %get3A_223 = vector.shape_cast %get3A_222 : vector<1x16xf32> to vector<16xf32>
        %add3A_224 = arith.addf %get3A_223, %get3A_104 : vector<16xf32>
        %swap3A_225 = arith.index_cast %add3A_189 : i32 to index
        %swap3A_226 = arith.constant 48 : index
        %swap3A_227 = tpu.vector_load %arg7[%swap3A_225, %swap3A_226] {strides = array<i32>} : memref<400x64xf32, #tpu.memory_space<vmem>>, vector<1x16xf32>,
        %swap3A_228 = vector.shape_cast %swap3A_227 : vector<1x16xf32> to vector<16xf32>
        %swap3A_229 = vector.shape_cast %add3A_224 : vector<16xf32> to vector<1x16xf32>
        tpu.vector_store %arg7[%swap3A_225, %swap3A_226], %swap3A_229 {strides = array<i32>} : memref<400x64xf32, #tpu.memory_space<vmem>>, vector<1x16xf32>,
        %add3A_230 = arith.constant 150 : i32
        %add3A_231 = arith.addi %add3A_89, %add3A_230 : i32
        %get3A_232 = arith.index_cast %add3A_231 : i32 to index
        %get3A_233 = arith.constant 0 : index
        %get3A_234 = tpu.vector_load %arg7[%get3A_232, %get3A_233] {strides = array<i32>} : memref<400x64xf32, #tpu.memory_space<vmem>>, vector<1x16xf32>,
        %get3A_235 = vector.shape_cast %get3A_234 : vector<1x16xf32> to vector<16xf32>
        %add3A_236 = arith.addf %get3A_235, %get3A_92 : vector<16xf32>
        %swap3A_237 = arith.index_cast %add3A_231 : i32 to index
        %swap3A_238 = arith.constant 0 : index
        %swap3A_239 = tpu.vector_load %arg7[%swap3A_237, %swap3A_238] {strides = array<i32>} : memref<400x64xf32, #tpu.memory_space<vmem>>, vector<1x16xf32>,
        %swap3A_240 = vector.shape_cast %swap3A_239 : vector<1x16xf32> to vector<16xf32>
        %swap3A_241 = vector.shape_cast %add3A_236 : vector<16xf32> to vector<1x16xf32>
        tpu.vector_store %arg7[%swap3A_237, %swap3A_238], %swap3A_241 {strides = array<i32>} : memref<400x64xf32, #tpu.memory_space<vmem>>, vector<1x16xf32>,
        %get3A_242 = arith.index_cast %add3A_231 : i32 to index
        %get3A_243 = arith.constant 16 : index
        %get3A_244 = tpu.vector_load %arg7[%get3A_242, %get3A_243] {strides = array<i32>} : memref<400x64xf32, #tpu.memory_space<vmem>>, vector<1x16xf32>,
        %get3A_245 = vector.shape_cast %get3A_244 : vector<1x16xf32> to vector<16xf32>
        %add3A_246 = arith.addf %get3A_245, %get3A_96 : vector<16xf32>
        %swap3A_247 = arith.index_cast %add3A_231 : i32 to index
        %swap3A_248 = arith.constant 16 : index
        %swap3A_249 = tpu.vector_load %arg7[%swap3A_247, %swap3A_248] {strides = array<i32>} : memref<400x64xf32, #tpu.memory_space<vmem>>, vector<1x16xf32>,
        %swap3A_250 = vector.shape_cast %swap3A_249 : vector<1x16xf32> to vector<16xf32>
        %swap3A_251 = vector.shape_cast %add3A_246 : vector<16xf32> to vector<1x16xf32>
        tpu.vector_store %arg7[%swap3A_247, %swap3A_248], %swap3A_251 {strides = array<i32>} : memref<400x64xf32, #tpu.memory_space<vmem>>, vector<1x16xf32>,
        %get3A_252 = arith.index_cast %add3A_231 : i32 to index
        %get3A_253 = arith.constant 32 : index
        %get3A_254 = tpu.vector_load %arg7[%get3A_252, %get3A_253] {strides = array<i32>} : memref<400x64xf32, #tpu.memory_space<vmem>>, vector<1x16xf32>,
        %get3A_255 = vector.shape_cast %get3A_254 : vector<1x16xf32> to vector<16xf32>
        %add3A_256 = arith.addf %get3A_255, %get3A_100 : vector<16xf32>
        %swap3A_257 = arith.index_cast %add3A_231 : i32 to index
        %swap3A_258 = arith.constant 32 : index
        %swap3A_259 = tpu.vector_load %arg7[%swap3A_257, %swap3A_258] {strides = array<i32>} : memref<400x64xf32, #tpu.memory_space<vmem>>, vector<1x16xf32>,
        %swap3A_260 = vector.shape_cast %swap3A_259 : vector<1x16xf32> to vector<16xf32>
        %swap3A_261 = vector.shape_cast %add3A_256 : vector<16xf32> to vector<1x16xf32>
        tpu.vector_store %arg7[%swap3A_257, %swap3A_258], %swap3A_261 {strides = array<i32>} : memref<400x64xf32, #tpu.memory_space<vmem>>, vector<1x16xf32>,
        %get3A_262 = arith.index_cast %add3A_231 : i32 to index
        %get3A_263 = arith.constant 48 : index
        %get3A_264 = tpu.vector_load %arg7[%get3A_262, %get3A_263] {strides = array<i32>} : memref<400x64xf32, #tpu.memory_space<vmem>>, vector<1x16xf32>,
        %get3A_265 = vector.shape_cast %get3A_264 : vector<1x16xf32> to vector<16xf32>
        %add3A_266 = arith.addf %get3A_265, %get3A_104 : vector<16xf32>
        %swap3A_267 = arith.index_cast %add3A_231 : i32 to index
        %swap3A_268 = arith.constant 48 : index
        %swap3A_269 = tpu.vector_load %arg7[%swap3A_267, %swap3A_268] {strides = array<i32>} : memref<400x64xf32, #tpu.memory_space<vmem>>, vector<1x16xf32>,
        %swap3A_270 = vector.shape_cast %swap3A_269 : vector<1x16xf32> to vector<16xf32>
        %swap3A_271 = vector.shape_cast %add3A_266 : vector<16xf32> to vector<1x16xf32>
        tpu.vector_store %arg7[%swap3A_267, %swap3A_268], %swap3A_271 {strides = array<i32>} : memref<400x64xf32, #tpu.memory_space<vmem>>, vector<1x16xf32>,
        %add3A_272 = arith.constant 200 : i32
        %add3A_273 = arith.addi %add3A_89, %add3A_272 : i32
        %get3A_274 = arith.index_cast %add3A_273 : i32 to index
        %get3A_275 = arith.constant 0 : index
        %get3A_276 = tpu.vector_load %arg7[%get3A_274, %get3A_275] {strides = array<i32>} : memref<400x64xf32, #tpu.memory_space<vmem>>, vector<1x16xf32>,
        %get3A_277 = vector.shape_cast %get3A_276 : vector<1x16xf32> to vector<16xf32>
        %add3A_278 = arith.addf %get3A_277, %get3A_92 : vector<16xf32>
        %swap3A_279 = arith.index_cast %add3A_273 : i32 to index
        %swap3A_280 = arith.constant 0 : index
        %swap3A_281 = tpu.vector_load %arg7[%swap3A_279, %swap3A_280] {strides = array<i32>} : memref<400x64xf32, #tpu.memory_space<vmem>>, vector<1x16xf32>,
        %swap3A_282 = vector.shape_cast %swap3A_281 : vector<1x16xf32> to vector<16xf32>
        %swap3A_283 = vector.shape_cast %add3A_278 : vector<16xf32> to vector<1x16xf32>
        tpu.vector_store %arg7[%swap3A_279, %swap3A_280], %swap3A_283 {strides = array<i32>} : memref<400x64xf32, #tpu.memory_space<vmem>>, vector<1x16xf32>,
        %get3A_284 = arith.index_cast %add3A_273 : i32 to index
        %get3A_285 = arith.constant 16 : index
        %get3A_286 = tpu.vector_load %arg7[%get3A_284, %get3A_285] {strides = array<i32>} : memref<400x64xf32, #tpu.memory_space<vmem>>, vector<1x16xf32>,
        %get3A_287 = vector.shape_cast %get3A_286 : vector<1x16xf32> to vector<16xf32>
        %add3A_288 = arith.addf %get3A_287, %get3A_96 : vector<16xf32>
        %swap3A_289 = arith.index_cast %add3A_273 : i32 to index
        %swap3A_290 = arith.constant 16 : index
        %swap3A_291 = tpu.vector_load %arg7[%swap3A_289, %swap3A_290] {strides = array<i32>} : memref<400x64xf32, #tpu.memory_space<vmem>>, vector<1x16xf32>,
        %swap3A_292 = vector.shape_cast %swap3A_291 : vector<1x16xf32> to vector<16xf32>
        %swap3A_293 = vector.shape_cast %add3A_288 : vector<16xf32> to vector<1x16xf32>
        tpu.vector_store %arg7[%swap3A_289, %swap3A_290], %swap3A_293 {strides = array<i32>} : memref<400x64xf32, #tpu.memory_space<vmem>>, vector<1x16xf32>,
        %get3A_294 = arith.index_cast %add3A_273 : i32 to index
        %get3A_295 = arith.constant 32 : index
        %get3A_296 = tpu.vector_load %arg7[%get3A_294, %get3A_295] {strides = array<i32>} : memref<400x64xf32, #tpu.memory_space<vmem>>, vector<1x16xf32>,
        %get3A_297 = vector.shape_cast %get3A_296 : vector<1x16xf32> to vector<16xf32>
        %add3A_298 = arith.addf %get3A_297, %get3A_100 : vector<16xf32>
        %swap3A_299 = arith.index_cast %add3A_273 : i32 to index
        %swap3A_300 = arith.constant 32 : index
        %swap3A_301 = tpu.vector_load %arg7[%swap3A_299, %swap3A_300] {strides = array<i32>} : memref<400x64xf32, #tpu.memory_space<vmem>>, vector<1x16xf32>,
        %swap3A_302 = vector.shape_cast %swap3A_301 : vector<1x16xf32> to vector<16xf32>
        %swap3A_303 = vector.shape_cast %add3A_298 : vector<16xf32> to vector<1x16xf32>
        tpu.vector_store %arg7[%swap3A_299, %swap3A_300], %swap3A_303 {strides = array<i32>} : memref<400x64xf32, #tpu.memory_space<vmem>>, vector<1x16xf32>,
        %get3A_304 = arith.index_cast %add3A_273 : i32 to index
        %get3A_305 = arith.constant 48 : index
        %get3A_306 = tpu.vector_load %arg7[%get3A_304, %get3A_305] {strides = array<i32>} : memref<400x64xf32, #tpu.memory_space<vmem>>, vector<1x16xf32>,
        %get3A_307 = vector.shape_cast %get3A_306 : vector<1x16xf32> to vector<16xf32>
        %add3A_308 = arith.addf %get3A_307, %get3A_104 : vector<16xf32>
        %swap3A_309 = arith.index_cast %add3A_273 : i32 to index
        %swap3A_310 = arith.constant 48 : index
        %swap3A_311 = tpu.vector_load %arg7[%swap3A_309, %swap3A_310] {strides = array<i32>} : memref<400x64xf32, #tpu.memory_space<vmem>>, vector<1x16xf32>,
        %swap3A_312 = vector.shape_cast %swap3A_311 : vector<1x16xf32> to vector<16xf32>
        %swap3A_313 = vector.shape_cast %add3A_308 : vector<16xf32> to vector<1x16xf32>
        tpu.vector_store %arg7[%swap3A_309, %swap3A_310], %swap3A_313 {strides = array<i32>} : memref<400x64xf32, #tpu.memory_space<vmem>>, vector<1x16xf32>,
        %add3A_314 = arith.constant 250 : i32
        %add3A_315 = arith.addi %add3A_89, %add3A_314 : i32
        %get3A_316 = arith.index_cast %add3A_315 : i32 to index
        %get3A_317 = arith.constant 0 : index
        %get3A_318 = tpu.vector_load %arg7[%get3A_316, %get3A_317] {strides = array<i32>} : memref<400x64xf32, #tpu.memory_space<vmem>>, vector<1x16xf32>,
        %get3A_319 = vector.shape_cast %get3A_318 : vector<1x16xf32> to vector<16xf32>
        %add3A_320 = arith.addf %get3A_319, %get3A_92 : vector<16xf32>
        %swap3A_321 = arith.index_cast %add3A_315 : i32 to index
        %swap3A_322 = arith.constant 0 : index
        %swap3A_323 = tpu.vector_load %arg7[%swap3A_321, %swap3A_322] {strides = array<i32>} : memref<400x64xf32, #tpu.memory_space<vmem>>, vector<1x16xf32>,
        %swap3A_324 = vector.shape_cast %swap3A_323 : vector<1x16xf32> to vector<16xf32>
        %swap3A_325 = vector.shape_cast %add3A_320 : vector<16xf32> to vector<1x16xf32>
        tpu.vector_store %arg7[%swap3A_321, %swap3A_322], %swap3A_325 {strides = array<i32>} : memref<400x64xf32, #tpu.memory_space<vmem>>, vector<1x16xf32>,
        %get3A_326 = arith.index_cast %add3A_315 : i32 to index
        %get3A_327 = arith.constant 16 : index
        %get3A_328 = tpu.vector_load %arg7[%get3A_326, %get3A_327] {strides = array<i32>} : memref<400x64xf32, #tpu.memory_space<vmem>>, vector<1x16xf32>,
        %get3A_329 = vector.shape_cast %get3A_328 : vector<1x16xf32> to vector<16xf32>
        %add3A_330 = arith.addf %get3A_329, %get3A_96 : vector<16xf32>
        %swap3A_331 = arith.index_cast %add3A_315 : i32 to index
        %swap3A_332 = arith.constant 16 : index
        %swap3A_333 = tpu.vector_load %arg7[%swap3A_331, %swap3A_332] {strides = array<i32>} : memref<400x64xf32, #tpu.memory_space<vmem>>, vector<1x16xf32>,
        %swap3A_334 = vector.shape_cast %swap3A_333 : vector<1x16xf32> to vector<16xf32>
        %swap3A_335 = vector.shape_cast %add3A_330 : vector<16xf32> to vector<1x16xf32>
        tpu.vector_store %arg7[%swap3A_331, %swap3A_332], %swap3A_335 {strides = array<i32>} : memref<400x64xf32, #tpu.memory_space<vmem>>, vector<1x16xf32>,
        %get3A_336 = arith.index_cast %add3A_315 : i32 to index
        %get3A_337 = arith.constant 32 : index
        %get3A_338 = tpu.vector_load %arg7[%get3A_336, %get3A_337] {strides = array<i32>} : memref<400x64xf32, #tpu.memory_space<vmem>>, vector<1x16xf32>,
        %get3A_339 = vector.shape_cast %get3A_338 : vector<1x16xf32> to vector<16xf32>
        %add3A_340 = arith.addf %get3A_339, %get3A_100 : vector<16xf32>
        %swap3A_341 = arith.index_cast %add3A_315 : i32 to index
        %swap3A_342 = arith.constant 32 : index
        %swap3A_343 = tpu.vector_load %arg7[%swap3A_341, %swap3A_342] {strides = array<i32>} : memref<400x64xf32, #tpu.memory_space<vmem>>, vector<1x16xf32>,
        %swap3A_344 = vector.shape_cast %swap3A_343 : vector<1x16xf32> to vector<16xf32>
        %swap3A_345 = vector.shape_cast %add3A_340 : vector<16xf32> to vector<1x16xf32>
        tpu.vector_store %arg7[%swap3A_341, %swap3A_342], %swap3A_345 {strides = array<i32>} : memref<400x64xf32, #tpu.memory_space<vmem>>, vector<1x16xf32>,
        %get3A_346 = arith.index_cast %add3A_315 : i32 to index
        %get3A_347 = arith.constant 48 : index
        %get3A_348 = tpu.vector_load %arg7[%get3A_346, %get3A_347] {strides = array<i32>} : memref<400x64xf32, #tpu.memory_space<vmem>>, vector<1x16xf32>,
        %get3A_349 = vector.shape_cast %get3A_348 : vector<1x16xf32> to vector<16xf32>
        %add3A_350 = arith.addf %get3A_349, %get3A_104 : vector<16xf32>
        %swap3A_351 = arith.index_cast %add3A_315 : i32 to index
        %swap3A_352 = arith.constant 48 : index
        %swap3A_353 = tpu.vector_load %arg7[%swap3A_351, %swap3A_352] {strides = array<i32>} : memref<400x64xf32, #tpu.memory_space<vmem>>, vector<1x16xf32>,
        %swap3A_354 = vector.shape_cast %swap3A_353 : vector<1x16xf32> to vector<16xf32>
        %swap3A_355 = vector.shape_cast %add3A_350 : vector<16xf32> to vector<1x16xf32>
        tpu.vector_store %arg7[%swap3A_351, %swap3A_352], %swap3A_355 {strides = array<i32>} : memref<400x64xf32, #tpu.memory_space<vmem>>, vector<1x16xf32>,
        %add3A_356 = arith.constant 300 : i32
        %add3A_357 = arith.addi %add3A_89, %add3A_356 : i32
        %get3A_358 = arith.index_cast %add3A_357 : i32 to index
        %get3A_359 = arith.constant 0 : index
        %get3A_360 = tpu.vector_load %arg7[%get3A_358, %get3A_359] {strides = array<i32>} : memref<400x64xf32, #tpu.memory_space<vmem>>, vector<1x16xf32>,
        %get3A_361 = vector.shape_cast %get3A_360 : vector<1x16xf32> to vector<16xf32>
        %add3A_362 = arith.addf %get3A_361, %get3A_92 : vector<16xf32>
        %swap3A_363 = arith.index_cast %add3A_357 : i32 to index
        %swap3A_364 = arith.constant 0 : index
        %swap3A_365 = tpu.vector_load %arg7[%swap3A_363, %swap3A_364] {strides = array<i32>} : memref<400x64xf32, #tpu.memory_space<vmem>>, vector<1x16xf32>,
        %swap3A_366 = vector.shape_cast %swap3A_365 : vector<1x16xf32> to vector<16xf32>
        %swap3A_367 = vector.shape_cast %add3A_362 : vector<16xf32> to vector<1x16xf32>
        tpu.vector_store %arg7[%swap3A_363, %swap3A_364], %swap3A_367 {strides = array<i32>} : memref<400x64xf32, #tpu.memory_space<vmem>>, vector<1x16xf32>,
        %get3A_368 = arith.index_cast %add3A_357 : i32 to index
        %get3A_369 = arith.constant 16 : index
        %get3A_370 = tpu.vector_load %arg7[%get3A_368, %get3A_369] {strides = array<i32>} : memref<400x64xf32, #tpu.memory_space<vmem>>, vector<1x16xf32>,
        %get3A_371 = vector.shape_cast %get3A_370 : vector<1x16xf32> to vector<16xf32>
        %add3A_372 = arith.addf %get3A_371, %get3A_96 : vector<16xf32>
        %swap3A_373 = arith.index_cast %add3A_357 : i32 to index
        %swap3A_374 = arith.constant 16 : index
        %swap3A_375 = tpu.vector_load %arg7[%swap3A_373, %swap3A_374] {strides = array<i32>} : memref<400x64xf32, #tpu.memory_space<vmem>>, vector<1x16xf32>,
        %swap3A_376 = vector.shape_cast %swap3A_375 : vector<1x16xf32> to vector<16xf32>
        %swap3A_377 = vector.shape_cast %add3A_372 : vector<16xf32> to vector<1x16xf32>
        tpu.vector_store %arg7[%swap3A_373, %swap3A_374], %swap3A_377 {strides = array<i32>} : memref<400x64xf32, #tpu.memory_space<vmem>>, vector<1x16xf32>,
        %get3A_378 = arith.index_cast %add3A_357 : i32 to index
        %get3A_379 = arith.constant 32 : index
        %get3A_380 = tpu.vector_load %arg7[%get3A_378, %get3A_379] {strides = array<i32>} : memref<400x64xf32, #tpu.memory_space<vmem>>, vector<1x16xf32>,
        %get3A_381 = vector.shape_cast %get3A_380 : vector<1x16xf32> to vector<16xf32>
        %add3A_382 = arith.addf %get3A_381, %get3A_100 : vector<16xf32>
        %swap3A_383 = arith.index_cast %add3A_357 : i32 to index
        %swap3A_384 = arith.constant 32 : index
        %swap3A_385 = tpu.vector_load %arg7[%swap3A_383, %swap3A_384] {strides = array<i32>} : memref<400x64xf32, #tpu.memory_space<vmem>>, vector<1x16xf32>,
        %swap3A_386 = vector.shape_cast %swap3A_385 : vector<1x16xf32> to vector<16xf32>
        %swap3A_387 = vector.shape_cast %add3A_382 : vector<16xf32> to vector<1x16xf32>
        tpu.vector_store %arg7[%swap3A_383, %swap3A_384], %swap3A_387 {strides = array<i32>} : memref<400x64xf32, #tpu.memory_space<vmem>>, vector<1x16xf32>,
        %get3A_388 = arith.index_cast %add3A_357 : i32 to index
        %get3A_389 = arith.constant 48 : index
        %get3A_390 = tpu.vector_load %arg7[%get3A_388, %get3A_389] {strides = array<i32>} : memref<400x64xf32, #tpu.memory_space<vmem>>, vector<1x16xf32>,
        %get3A_391 = vector.shape_cast %get3A_390 : vector<1x16xf32> to vector<16xf32>
        %add3A_392 = arith.addf %get3A_391, %get3A_104 : vector<16xf32>
        %swap3A_393 = arith.index_cast %add3A_357 : i32 to index
        %swap3A_394 = arith.constant 48 : index
        %swap3A_395 = tpu.vector_load %arg7[%swap3A_393, %swap3A_394] {strides = array<i32>} : memref<400x64xf32, #tpu.memory_space<vmem>>, vector<1x16xf32>,
        %swap3A_396 = vector.shape_cast %swap3A_395 : vector<1x16xf32> to vector<16xf32>
        %swap3A_397 = vector.shape_cast %add3A_392 : vector<16xf32> to vector<1x16xf32>
        tpu.vector_store %arg7[%swap3A_393, %swap3A_394], %swap3A_397 {strides = array<i32>} : memref<400x64xf32, #tpu.memory_space<vmem>>, vector<1x16xf32>,
        %add3A_398 = arith.constant 350 : i32
        %add3A_399 = arith.addi %add3A_89, %add3A_398 : i32
        %get3A_400 = arith.index_cast %add3A_399 : i32 to index
        %get3A_401 = arith.constant 0 : index
        %get3A_402 = tpu.vector_load %arg7[%get3A_400, %get3A_401] {strides = array<i32>} : memref<400x64xf32, #tpu.memory_space<vmem>>, vector<1x16xf32>,
        %get3A_403 = vector.shape_cast %get3A_402 : vector<1x16xf32> to vector<16xf32>
        %add3A_404 = arith.addf %get3A_403, %get3A_92 : vector<16xf32>
        %swap3A_405 = arith.index_cast %add3A_399 : i32 to index
        %swap3A_406 = arith.constant 0 : index
        %swap3A_407 = tpu.vector_load %arg7[%swap3A_405, %swap3A_406] {strides = array<i32>} : memref<400x64xf32, #tpu.memory_space<vmem>>, vector<1x16xf32>,
        %swap3A_408 = vector.shape_cast %swap3A_407 : vector<1x16xf32> to vector<16xf32>
        %swap3A_409 = vector.shape_cast %add3A_404 : vector<16xf32> to vector<1x16xf32>
        tpu.vector_store %arg7[%swap3A_405, %swap3A_406], %swap3A_409 {strides = array<i32>} : memref<400x64xf32, #tpu.memory_space<vmem>>, vector<1x16xf32>,
        %get3A_410 = arith.index_cast %add3A_399 : i32 to index
        %get3A_411 = arith.constant 16 : index
        %get3A_412 = tpu.vector_load %arg7[%get3A_410, %get3A_411] {strides = array<i32>} : memref<400x64xf32, #tpu.memory_space<vmem>>, vector<1x16xf32>,
        %get3A_413 = vector.shape_cast %get3A_412 : vector<1x16xf32> to vector<16xf32>
        %add3A_414 = arith.addf %get3A_413, %get3A_96 : vector<16xf32>
        %swap3A_415 = arith.index_cast %add3A_399 : i32 to index
        %swap3A_416 = arith.constant 16 : index
        %swap3A_417 = tpu.vector_load %arg7[%swap3A_415, %swap3A_416] {strides = array<i32>} : memref<400x64xf32, #tpu.memory_space<vmem>>, vector<1x16xf32>,
        %swap3A_418 = vector.shape_cast %swap3A_417 : vector<1x16xf32> to vector<16xf32>
        %swap3A_419 = vector.shape_cast %add3A_414 : vector<16xf32> to vector<1x16xf32>
        tpu.vector_store %arg7[%swap3A_415, %swap3A_416], %swap3A_419 {strides = array<i32>} : memref<400x64xf32, #tpu.memory_space<vmem>>, vector<1x16xf32>,
        %get3A_420 = arith.index_cast %add3A_399 : i32 to index
        %get3A_421 = arith.constant 32 : index
        %get3A_422 = tpu.vector_load %arg7[%get3A_420, %get3A_421] {strides = array<i32>} : memref<400x64xf32, #tpu.memory_space<vmem>>, vector<1x16xf32>,
        %get3A_423 = vector.shape_cast %get3A_422 : vector<1x16xf32> to vector<16xf32>
        %add3A_424 = arith.addf %get3A_423, %get3A_100 : vector<16xf32>
        %swap3A_425 = arith.index_cast %add3A_399 : i32 to index
        %swap3A_426 = arith.constant 32 : index
        %swap3A_427 = tpu.vector_load %arg7[%swap3A_425, %swap3A_426] {strides = array<i32>} : memref<400x64xf32, #tpu.memory_space<vmem>>, vector<1x16xf32>,
        %swap3A_428 = vector.shape_cast %swap3A_427 : vector<1x16xf32> to vector<16xf32>
        %swap3A_429 = vector.shape_cast %add3A_424 : vector<16xf32> to vector<1x16xf32>
        tpu.vector_store %arg7[%swap3A_425, %swap3A_426], %swap3A_429 {strides = array<i32>} : memref<400x64xf32, #tpu.memory_space<vmem>>, vector<1x16xf32>,
        %get3A_430 = arith.index_cast %add3A_399 : i32 to index
        %get3A_431 = arith.constant 48 : index
        %get3A_432 = tpu.vector_load %arg7[%get3A_430, %get3A_431] {strides = array<i32>} : memref<400x64xf32, #tpu.memory_space<vmem>>, vector<1x16xf32>,
        %get3A_433 = vector.shape_cast %get3A_432 : vector<1x16xf32> to vector<16xf32>
        %add3A_434 = arith.addf %get3A_433, %get3A_104 : vector<16xf32>
        %swap3A_435 = arith.index_cast %add3A_399 : i32 to index
        %swap3A_436 = arith.constant 48 : index
        %swap3A_437 = tpu.vector_load %arg7[%swap3A_435, %swap3A_436] {strides = array<i32>} : memref<400x64xf32, #tpu.memory_space<vmem>>, vector<1x16xf32>,
        %swap3A_438 = vector.shape_cast %swap3A_437 : vector<1x16xf32> to vector<16xf32>
        %swap3A_439 = vector.shape_cast %add3A_434 : vector<16xf32> to vector<1x16xf32>
        tpu.vector_store %arg7[%swap3A_435, %swap3A_436], %swap3A_439 {strides = array<i32>} : memref<400x64xf32, #tpu.memory_space<vmem>>, vector<1x16xf32>,
      }
      %scan3A_43 = arith.constant 50 : i32
      %mul3A_44 = arith.constant 400 : i32
      %mul3A_45 = arith.muli %add3A_24, %mul3A_44 : i32
      %add3A_46 = arith.addi %mul3A_2, %mul3A_45 : i32
      %dma_start3A_47 = arith.constant 0 : i32
      %dma_start3A_48 = tpu.memref_slice %arg5[%add3A_46, %dma_start3A_47] : memref<204800x64xf32, #tpu.memory_space<hbm>> -> memref<400x64xf32, #tpu.memory_space<hbm>>
      %dma_start3A_49 = arith.constant 0 : i32
      %dma_start3A_50 = tpu.memref_slice %arg5[%add3A_46, %dma_start3A_49] : memref<204800x64xf32, #tpu.memory_space<hbm>> -> memref<400x64xf32, #tpu.memory_space<hbm>>
      tpu.enqueue_dma source(%arg7 : memref<400x64xf32, #tpu.memory_space<vmem>>) target(%dma_start3A_50 : memref<400x64xf32, #tpu.memory_space<hbm>>) target_semaphore(%arg12 : memref<!tpu.dma_semaphore, #tpu.memory_space<semaphore_mem>>)
      %mul3A_51 = arith.constant 2 : i32
      %mul3A_52 = arith.muli %add3A_20, %mul3A_51 : i32
      %add3A_53 = arith.constant 1 : i32
      %add3A_54 = arith.addi %mul3A_52, %add3A_53 : i32
      %gt3A_55 = arith.constant 0 : i32
      %gt3A_56 = arith.cmpi sgt, %add3A_54, %gt3A_55 : i32
      %convert_element_type3A_57 = arith.extui %gt3A_56 : i1 to i32
      %cond3A_58 = arith.constant 0 : i32
      %cond3A_59 = arith.cmpi ne, %convert_element_type3A_57, %cond3A_58 : i32
      scf.if %cond3A_59 {
        %dma_wait3A_85 = arith.constant 0 : i32
        %dma_wait3A_86 = arith.constant 0 : i32
        %dma_wait3A_87 = tpu.memref_slice %arg5[%dma_wait3A_85, %dma_wait3A_86] : memref<204800x64xf32, #tpu.memory_space<hbm>> -> memref<400x64xf32, #tpu.memory_space<hbm>>
        %dma_wait3A_88 = arith.constant 0 : i32
        %dma_wait3A_89 = arith.constant 0 : i32
        %dma_wait3A_90 = tpu.memref_slice %arg5[%dma_wait3A_88, %dma_wait3A_89] : memref<204800x64xf32, #tpu.memory_space<hbm>> -> memref<400x64xf32, #tpu.memory_space<hbm>>
        tpu.wait_dma2 semaphore(%arg12 : memref<!tpu.dma_semaphore, #tpu.memory_space<semaphore_mem>>) src(%arg7 : memref<400x64xf32, #tpu.memory_space<vmem>>) dst(%dma_wait3A_90 : memref<400x64xf32, #tpu.memory_space<hbm>>)
      } else {
      }
      %add3A_60 = arith.constant 1 : i32
      %add3A_61 = arith.addi %add3A_54, %add3A_60 : i32
      %lt3A_62 = arith.constant 16 : i32
      %lt3A_63 = arith.cmpi slt, %add3A_61, %lt3A_62 : i32
      %convert_element_type3A_64 = arith.extui %lt3A_63 : i1 to i32
      %cond3A_65 = arith.constant 0 : i32
      %cond3A_66 = arith.cmpi ne, %convert_element_type3A_64, %cond3A_65 : i32
      scf.if %cond3A_66 {
        %add3A_85 = arith.constant 1 : i32
        %add3A_86 = arith.addi %add3A_54, %add3A_85 : i32
        %mul3A_87 = arith.constant 400 : i32
        %mul3A_88 = arith.muli %add3A_86, %mul3A_87 : i32
        %dma_start3A_89 = tpu.memref_slice %arg6[%mul3A_88] : memref<6400xi32, #tpu.memory_space<vmem>> -> memref<400xi32, #tpu.memory_space<vmem>>
        %dma_start3A_90 = arith.constant 0 : i32
        %dma_start3A_91 = arith.constant 0 : i32
        %dma_start3A_92 = tpu.memref_slice %arg2[%dma_start3A_90, %dma_start3A_91] : memref<1000000x64xf32, #tpu.memory_space<hbm>> -> memref<1000000x64xf32, #tpu.memory_space<hbm>>
        tpu.enqueue_indirect_dma source(%dma_start3A_92 : memref<1000000x64xf32, #tpu.memory_space<hbm>>) target(%arg7 : memref<400x64xf32, #tpu.memory_space<vmem>>) offsets(%dma_start3A_89 : memref<400xi32, #tpu.memory_space<vmem>>) semaphore(%arg10 : memref<!tpu.dma_semaphore, #tpu.memory_space<semaphore_mem>>)
      } else {
      }
      %dma_wait3A_67 = arith.constant 0 : i32
      %dma_wait3A_68 = arith.constant 0 : i32
      %dma_wait3A_69 = tpu.memref_slice %arg5[%dma_wait3A_67, %dma_wait3A_68] : memref<204800x64xf32, #tpu.memory_space<hbm>> -> memref<400x64xf32, #tpu.memory_space<hbm>>
      %dma_wait3A_70 = arith.constant 0 : i32
      %dma_wait3A_71 = arith.constant 0 : i32
      %dma_wait3A_72 = tpu.memref_slice %arg5[%dma_wait3A_70, %dma_wait3A_71] : memref<204800x64xf32, #tpu.memory_space<hbm>> -> memref<400x64xf32, #tpu.memory_space<hbm>>
      tpu.wait_dma2 semaphore(%arg11 : memref<!tpu.dma_semaphore, #tpu.memory_space<semaphore_mem>>) src(%dma_wait3A_72 : memref<400x64xf32, #tpu.memory_space<hbm>>) dst(%arg8 : memref<400x64xf32, #tpu.memory_space<vmem>>)
      %scan3A_73 = arith.constant 0 : i32
      %scan3A_74 = arith.constant 50 : i32
      %scan3A_75 = arith.addi %scan3A_73, %scan3A_74 : i32
      %scan3A_76 = arith.constant 1 : i32
      scf.for %scan3A_85 = %scan3A_73 to %scan3A_75 step %scan3A_76  : i32 {
        %mul3A_86 = arith.constant 1 : i32
        %mul3A_87 = arith.muli %scan3A_85, %mul3A_86 : i32
        %add3A_88 = arith.constant 0 : i32
        %add3A_89 = arith.addi %add3A_88, %mul3A_87 : i32
        %get3A = arith.index_cast %add3A_89 : i32 to index
        %get3A_90 = arith.constant 0 : index
        %get3A_91 = tpu.vector_load %arg9[%get3A, %get3A_90] {strides = array<i32>} : memref<50x64xf32, #tpu.memory_space<vmem>>, vector<1x16xf32>,
        %get3A_92 = vector.shape_cast %get3A_91 : vector<1x16xf32> to vector<16xf32>
        %get3A_93 = arith.index_cast %add3A_89 : i32 to index
        %get3A_94 = arith.constant 16 : index
        %get3A_95 = tpu.vector_load %arg9[%get3A_93, %get3A_94] {strides = array<i32>} : memref<50x64xf32, #tpu.memory_space<vmem>>, vector<1x16xf32>,
        %get3A_96 = vector.shape_cast %get3A_95 : vector<1x16xf32> to vector<16xf32>
        %get3A_97 = arith.index_cast %add3A_89 : i32 to index
        %get3A_98 = arith.constant 32 : index
        %get3A_99 = tpu.vector_load %arg9[%get3A_97, %get3A_98] {strides = array<i32>} : memref<50x64xf32, #tpu.memory_space<vmem>>, vector<1x16xf32>,
        %get3A_100 = vector.shape_cast %get3A_99 : vector<1x16xf32> to vector<16xf32>
        %get3A_101 = arith.index_cast %add3A_89 : i32 to index
        %get3A_102 = arith.constant 48 : index
        %get3A_103 = tpu.vector_load %arg9[%get3A_101, %get3A_102] {strides = array<i32>} : memref<50x64xf32, #tpu.memory_space<vmem>>, vector<1x16xf32>,
        %get3A_104 = vector.shape_cast %get3A_103 : vector<1x16xf32> to vector<16xf32>
        %add3A_105 = arith.constant 0 : i32
        %add3A_106 = arith.addi %add3A_89, %add3A_105 : i32
        %get3A_107 = arith.index_cast %add3A_106 : i32 to index
        %get3A_108 = arith.constant 0 : index
        %get3A_109 = tpu.vector_load %arg8[%get3A_107, %get3A_108] {strides = array<i32>} : memref<400x64xf32, #tpu.memory_space<vmem>>, vector<1x16xf32>,
        %get3A_110 = vector.shape_cast %get3A_109 : vector<1x16xf32> to vector<16xf32>
        %add3A_111 = arith.addf %get3A_110, %get3A_92 : vector<16xf32>
        %swap3A = arith.index_cast %add3A_106 : i32 to index
        %swap3A_112 = arith.constant 0 : index
        %swap3A_113 = tpu.vector_load %arg8[%swap3A, %swap3A_112] {strides = array<i32>} : memref<400x64xf32, #tpu.memory_space<vmem>>, vector<1x16xf32>,
        %swap3A_114 = vector.shape_cast %swap3A_113 : vector<1x16xf32> to vector<16xf32>
        %swap3A_115 = vector.shape_cast %add3A_111 : vector<16xf32> to vector<1x16xf32>
        tpu.vector_store %arg8[%swap3A, %swap3A_112], %swap3A_115 {strides = array<i32>} : memref<400x64xf32, #tpu.memory_space<vmem>>, vector<1x16xf32>,
        %get3A_116 = arith.index_cast %add3A_106 : i32 to index
        %get3A_117 = arith.constant 16 : index
        %get3A_118 = tpu.vector_load %arg8[%get3A_116, %get3A_117] {strides = array<i32>} : memref<400x64xf32, #tpu.memory_space<vmem>>, vector<1x16xf32>,
        %get3A_119 = vector.shape_cast %get3A_118 : vector<1x16xf32> to vector<16xf32>
        %add3A_120 = arith.addf %get3A_119, %get3A_96 : vector<16xf32>
        %swap3A_121 = arith.index_cast %add3A_106 : i32 to index
        %swap3A_122 = arith.constant 16 : index
        %swap3A_123 = tpu.vector_load %arg8[%swap3A_121, %swap3A_122] {strides = array<i32>} : memref<400x64xf32, #tpu.memory_space<vmem>>, vector<1x16xf32>,
        %swap3A_124 = vector.shape_cast %swap3A_123 : vector<1x16xf32> to vector<16xf32>
        %swap3A_125 = vector.shape_cast %add3A_120 : vector<16xf32> to vector<1x16xf32>
        tpu.vector_store %arg8[%swap3A_121, %swap3A_122], %swap3A_125 {strides = array<i32>} : memref<400x64xf32, #tpu.memory_space<vmem>>, vector<1x16xf32>,
        %get3A_126 = arith.index_cast %add3A_106 : i32 to index
        %get3A_127 = arith.constant 32 : index
        %get3A_128 = tpu.vector_load %arg8[%get3A_126, %get3A_127] {strides = array<i32>} : memref<400x64xf32, #tpu.memory_space<vmem>>, vector<1x16xf32>,
        %get3A_129 = vector.shape_cast %get3A_128 : vector<1x16xf32> to vector<16xf32>
        %add3A_130 = arith.addf %get3A_129, %get3A_100 : vector<16xf32>
        %swap3A_131 = arith.index_cast %add3A_106 : i32 to index
        %swap3A_132 = arith.constant 32 : index
        %swap3A_133 = tpu.vector_load %arg8[%swap3A_131, %swap3A_132] {strides = array<i32>} : memref<400x64xf32, #tpu.memory_space<vmem>>, vector<1x16xf32>,
        %swap3A_134 = vector.shape_cast %swap3A_133 : vector<1x16xf32> to vector<16xf32>
        %swap3A_135 = vector.shape_cast %add3A_130 : vector<16xf32> to vector<1x16xf32>
        tpu.vector_store %arg8[%swap3A_131, %swap3A_132], %swap3A_135 {strides = array<i32>} : memref<400x64xf32, #tpu.memory_space<vmem>>, vector<1x16xf32>,
        %get3A_136 = arith.index_cast %add3A_106 : i32 to index
        %get3A_137 = arith.constant 48 : index
        %get3A_138 = tpu.vector_load %arg8[%get3A_136, %get3A_137] {strides = array<i32>} : memref<400x64xf32, #tpu.memory_space<vmem>>, vector<1x16xf32>,
        %get3A_139 = vector.shape_cast %get3A_138 : vector<1x16xf32> to vector<16xf32>
        %add3A_140 = arith.addf %get3A_139, %get3A_104 : vector<16xf32>
        %swap3A_141 = arith.index_cast %add3A_106 : i32 to index
        %swap3A_142 = arith.constant 48 : index
        %swap3A_143 = tpu.vector_load %arg8[%swap3A_141, %swap3A_142] {strides = array<i32>} : memref<400x64xf32, #tpu.memory_space<vmem>>, vector<1x16xf32>,
        %swap3A_144 = vector.shape_cast %swap3A_143 : vector<1x16xf32> to vector<16xf32>
        %swap3A_145 = vector.shape_cast %add3A_140 : vector<16xf32> to vector<1x16xf32>
        tpu.vector_store %arg8[%swap3A_141, %swap3A_142], %swap3A_145 {strides = array<i32>} : memref<400x64xf32, #tpu.memory_space<vmem>>, vector<1x16xf32>,
        %add3A_146 = arith.constant 50 : i32
        %add3A_147 = arith.addi %add3A_89, %add3A_146 : i32
        %get3A_148 = arith.index_cast %add3A_147 : i32 to index
        %get3A_149 = arith.constant 0 : index
        %get3A_150 = tpu.vector_load %arg8[%get3A_148, %get3A_149] {strides = array<i32>} : memref<400x64xf32, #tpu.memory_space<vmem>>, vector<1x16xf32>,
        %get3A_151 = vector.shape_cast %get3A_150 : vector<1x16xf32> to vector<16xf32>
        %add3A_152 = arith.addf %get3A_151, %get3A_92 : vector<16xf32>
        %swap3A_153 = arith.index_cast %add3A_147 : i32 to index
        %swap3A_154 = arith.constant 0 : index
        %swap3A_155 = tpu.vector_load %arg8[%swap3A_153, %swap3A_154] {strides = array<i32>} : memref<400x64xf32, #tpu.memory_space<vmem>>, vector<1x16xf32>,
        %swap3A_156 = vector.shape_cast %swap3A_155 : vector<1x16xf32> to vector<16xf32>
        %swap3A_157 = vector.shape_cast %add3A_152 : vector<16xf32> to vector<1x16xf32>
        tpu.vector_store %arg8[%swap3A_153, %swap3A_154], %swap3A_157 {strides = array<i32>} : memref<400x64xf32, #tpu.memory_space<vmem>>, vector<1x16xf32>,
        %get3A_158 = arith.index_cast %add3A_147 : i32 to index
        %get3A_159 = arith.constant 16 : index
        %get3A_160 = tpu.vector_load %arg8[%get3A_158, %get3A_159] {strides = array<i32>} : memref<400x64xf32, #tpu.memory_space<vmem>>, vector<1x16xf32>,
        %get3A_161 = vector.shape_cast %get3A_160 : vector<1x16xf32> to vector<16xf32>
        %add3A_162 = arith.addf %get3A_161, %get3A_96 : vector<16xf32>
        %swap3A_163 = arith.index_cast %add3A_147 : i32 to index
        %swap3A_164 = arith.constant 16 : index
        %swap3A_165 = tpu.vector_load %arg8[%swap3A_163, %swap3A_164] {strides = array<i32>} : memref<400x64xf32, #tpu.memory_space<vmem>>, vector<1x16xf32>,
        %swap3A_166 = vector.shape_cast %swap3A_165 : vector<1x16xf32> to vector<16xf32>
        %swap3A_167 = vector.shape_cast %add3A_162 : vector<16xf32> to vector<1x16xf32>
        tpu.vector_store %arg8[%swap3A_163, %swap3A_164], %swap3A_167 {strides = array<i32>} : memref<400x64xf32, #tpu.memory_space<vmem>>, vector<1x16xf32>,
        %get3A_168 = arith.index_cast %add3A_147 : i32 to index
        %get3A_169 = arith.constant 32 : index
        %get3A_170 = tpu.vector_load %arg8[%get3A_168, %get3A_169] {strides = array<i32>} : memref<400x64xf32, #tpu.memory_space<vmem>>, vector<1x16xf32>,
        %get3A_171 = vector.shape_cast %get3A_170 : vector<1x16xf32> to vector<16xf32>
        %add3A_172 = arith.addf %get3A_171, %get3A_100 : vector<16xf32>
        %swap3A_173 = arith.index_cast %add3A_147 : i32 to index
        %swap3A_174 = arith.constant 32 : index
        %swap3A_175 = tpu.vector_load %arg8[%swap3A_173, %swap3A_174] {strides = array<i32>} : memref<400x64xf32, #tpu.memory_space<vmem>>, vector<1x16xf32>,
        %swap3A_176 = vector.shape_cast %swap3A_175 : vector<1x16xf32> to vector<16xf32>
        %swap3A_177 = vector.shape_cast %add3A_172 : vector<16xf32> to vector<1x16xf32>
        tpu.vector_store %arg8[%swap3A_173, %swap3A_174], %swap3A_177 {strides = array<i32>} : memref<400x64xf32, #tpu.memory_space<vmem>>, vector<1x16xf32>,
        %get3A_178 = arith.index_cast %add3A_147 : i32 to index
        %get3A_179 = arith.constant 48 : index
        %get3A_180 = tpu.vector_load %arg8[%get3A_178, %get3A_179] {strides = array<i32>} : memref<400x64xf32, #tpu.memory_space<vmem>>, vector<1x16xf32>,
        %get3A_181 = vector.shape_cast %get3A_180 : vector<1x16xf32> to vector<16xf32>
        %add3A_182 = arith.addf %get3A_181, %get3A_104 : vector<16xf32>
        %swap3A_183 = arith.index_cast %add3A_147 : i32 to index
        %swap3A_184 = arith.constant 48 : index
        %swap3A_185 = tpu.vector_load %arg8[%swap3A_183, %swap3A_184] {strides = array<i32>} : memref<400x64xf32, #tpu.memory_space<vmem>>, vector<1x16xf32>,
        %swap3A_186 = vector.shape_cast %swap3A_185 : vector<1x16xf32> to vector<16xf32>
        %swap3A_187 = vector.shape_cast %add3A_182 : vector<16xf32> to vector<1x16xf32>
        tpu.vector_store %arg8[%swap3A_183, %swap3A_184], %swap3A_187 {strides = array<i32>} : memref<400x64xf32, #tpu.memory_space<vmem>>, vector<1x16xf32>,
        %add3A_188 = arith.constant 100 : i32
        %add3A_189 = arith.addi %add3A_89, %add3A_188 : i32
        %get3A_190 = arith.index_cast %add3A_189 : i32 to index
        %get3A_191 = arith.constant 0 : index
        %get3A_192 = tpu.vector_load %arg8[%get3A_190, %get3A_191] {strides = array<i32>} : memref<400x64xf32, #tpu.memory_space<vmem>>, vector<1x16xf32>,
        %get3A_193 = vector.shape_cast %get3A_192 : vector<1x16xf32> to vector<16xf32>
        %add3A_194 = arith.addf %get3A_193, %get3A_92 : vector<16xf32>
        %swap3A_195 = arith.index_cast %add3A_189 : i32 to index
        %swap3A_196 = arith.constant 0 : index
        %swap3A_197 = tpu.vector_load %arg8[%swap3A_195, %swap3A_196] {strides = array<i32>} : memref<400x64xf32, #tpu.memory_space<vmem>>, vector<1x16xf32>,
        %swap3A_198 = vector.shape_cast %swap3A_197 : vector<1x16xf32> to vector<16xf32>
        %swap3A_199 = vector.shape_cast %add3A_194 : vector<16xf32> to vector<1x16xf32>
        tpu.vector_store %arg8[%swap3A_195, %swap3A_196], %swap3A_199 {strides = array<i32>} : memref<400x64xf32, #tpu.memory_space<vmem>>, vector<1x16xf32>,
        %get3A_200 = arith.index_cast %add3A_189 : i32 to index
        %get3A_201 = arith.constant 16 : index
        %get3A_202 = tpu.vector_load %arg8[%get3A_200, %get3A_201] {strides = array<i32>} : memref<400x64xf32, #tpu.memory_space<vmem>>, vector<1x16xf32>,
        %get3A_203 = vector.shape_cast %get3A_202 : vector<1x16xf32> to vector<16xf32>
        %add3A_204 = arith.addf %get3A_203, %get3A_96 : vector<16xf32>
        %swap3A_205 = arith.index_cast %add3A_189 : i32 to index
        %swap3A_206 = arith.constant 16 : index
        %swap3A_207 = tpu.vector_load %arg8[%swap3A_205, %swap3A_206] {strides = array<i32>} : memref<400x64xf32, #tpu.memory_space<vmem>>, vector<1x16xf32>,
        %swap3A_208 = vector.shape_cast %swap3A_207 : vector<1x16xf32> to vector<16xf32>
        %swap3A_209 = vector.shape_cast %add3A_204 : vector<16xf32> to vector<1x16xf32>
        tpu.vector_store %arg8[%swap3A_205, %swap3A_206], %swap3A_209 {strides = array<i32>} : memref<400x64xf32, #tpu.memory_space<vmem>>, vector<1x16xf32>,
        %get3A_210 = arith.index_cast %add3A_189 : i32 to index
        %get3A_211 = arith.constant 32 : index
        %get3A_212 = tpu.vector_load %arg8[%get3A_210, %get3A_211] {strides = array<i32>} : memref<400x64xf32, #tpu.memory_space<vmem>>, vector<1x16xf32>,
        %get3A_213 = vector.shape_cast %get3A_212 : vector<1x16xf32> to vector<16xf32>
        %add3A_214 = arith.addf %get3A_213, %get3A_100 : vector<16xf32>
        %swap3A_215 = arith.index_cast %add3A_189 : i32 to index
        %swap3A_216 = arith.constant 32 : index
        %swap3A_217 = tpu.vector_load %arg8[%swap3A_215, %swap3A_216] {strides = array<i32>} : memref<400x64xf32, #tpu.memory_space<vmem>>, vector<1x16xf32>,
        %swap3A_218 = vector.shape_cast %swap3A_217 : vector<1x16xf32> to vector<16xf32>
        %swap3A_219 = vector.shape_cast %add3A_214 : vector<16xf32> to vector<1x16xf32>
        tpu.vector_store %arg8[%swap3A_215, %swap3A_216], %swap3A_219 {strides = array<i32>} : memref<400x64xf32, #tpu.memory_space<vmem>>, vector<1x16xf32>,
        %get3A_220 = arith.index_cast %add3A_189 : i32 to index
        %get3A_221 = arith.constant 48 : index
        %get3A_222 = tpu.vector_load %arg8[%get3A_220, %get3A_221] {strides = array<i32>} : memref<400x64xf32, #tpu.memory_space<vmem>>, vector<1x16xf32>,
        %get3A_223 = vector.shape_cast %get3A_222 : vector<1x16xf32> to vector<16xf32>
        %add3A_224 = arith.addf %get3A_223, %get3A_104 : vector<16xf32>
        %swap3A_225 = arith.index_cast %add3A_189 : i32 to index
        %swap3A_226 = arith.constant 48 : index
        %swap3A_227 = tpu.vector_load %arg8[%swap3A_225, %swap3A_226] {strides = array<i32>} : memref<400x64xf32, #tpu.memory_space<vmem>>, vector<1x16xf32>,
        %swap3A_228 = vector.shape_cast %swap3A_227 : vector<1x16xf32> to vector<16xf32>
        %swap3A_229 = vector.shape_cast %add3A_224 : vector<16xf32> to vector<1x16xf32>
        tpu.vector_store %arg8[%swap3A_225, %swap3A_226], %swap3A_229 {strides = array<i32>} : memref<400x64xf32, #tpu.memory_space<vmem>>, vector<1x16xf32>,
        %add3A_230 = arith.constant 150 : i32
        %add3A_231 = arith.addi %add3A_89, %add3A_230 : i32
        %get3A_232 = arith.index_cast %add3A_231 : i32 to index
        %get3A_233 = arith.constant 0 : index
        %get3A_234 = tpu.vector_load %arg8[%get3A_232, %get3A_233] {strides = array<i32>} : memref<400x64xf32, #tpu.memory_space<vmem>>, vector<1x16xf32>,
        %get3A_235 = vector.shape_cast %get3A_234 : vector<1x16xf32> to vector<16xf32>
        %add3A_236 = arith.addf %get3A_235, %get3A_92 : vector<16xf32>
        %swap3A_237 = arith.index_cast %add3A_231 : i32 to index
        %swap3A_238 = arith.constant 0 : index
        %swap3A_239 = tpu.vector_load %arg8[%swap3A_237, %swap3A_238] {strides = array<i32>} : memref<400x64xf32, #tpu.memory_space<vmem>>, vector<1x16xf32>,
        %swap3A_240 = vector.shape_cast %swap3A_239 : vector<1x16xf32> to vector<16xf32>
        %swap3A_241 = vector.shape_cast %add3A_236 : vector<16xf32> to vector<1x16xf32>
        tpu.vector_store %arg8[%swap3A_237, %swap3A_238], %swap3A_241 {strides = array<i32>} : memref<400x64xf32, #tpu.memory_space<vmem>>, vector<1x16xf32>,
        %get3A_242 = arith.index_cast %add3A_231 : i32 to index
        %get3A_243 = arith.constant 16 : index
        %get3A_244 = tpu.vector_load %arg8[%get3A_242, %get3A_243] {strides = array<i32>} : memref<400x64xf32, #tpu.memory_space<vmem>>, vector<1x16xf32>,
        %get3A_245 = vector.shape_cast %get3A_244 : vector<1x16xf32> to vector<16xf32>
        %add3A_246 = arith.addf %get3A_245, %get3A_96 : vector<16xf32>
        %swap3A_247 = arith.index_cast %add3A_231 : i32 to index
        %swap3A_248 = arith.constant 16 : index
        %swap3A_249 = tpu.vector_load %arg8[%swap3A_247, %swap3A_248] {strides = array<i32>} : memref<400x64xf32, #tpu.memory_space<vmem>>, vector<1x16xf32>,
        %swap3A_250 = vector.shape_cast %swap3A_249 : vector<1x16xf32> to vector<16xf32>
        %swap3A_251 = vector.shape_cast %add3A_246 : vector<16xf32> to vector<1x16xf32>
        tpu.vector_store %arg8[%swap3A_247, %swap3A_248], %swap3A_251 {strides = array<i32>} : memref<400x64xf32, #tpu.memory_space<vmem>>, vector<1x16xf32>,
        %get3A_252 = arith.index_cast %add3A_231 : i32 to index
        %get3A_253 = arith.constant 32 : index
        %get3A_254 = tpu.vector_load %arg8[%get3A_252, %get3A_253] {strides = array<i32>} : memref<400x64xf32, #tpu.memory_space<vmem>>, vector<1x16xf32>,
        %get3A_255 = vector.shape_cast %get3A_254 : vector<1x16xf32> to vector<16xf32>
        %add3A_256 = arith.addf %get3A_255, %get3A_100 : vector<16xf32>
        %swap3A_257 = arith.index_cast %add3A_231 : i32 to index
        %swap3A_258 = arith.constant 32 : index
        %swap3A_259 = tpu.vector_load %arg8[%swap3A_257, %swap3A_258] {strides = array<i32>} : memref<400x64xf32, #tpu.memory_space<vmem>>, vector<1x16xf32>,
        %swap3A_260 = vector.shape_cast %swap3A_259 : vector<1x16xf32> to vector<16xf32>
        %swap3A_261 = vector.shape_cast %add3A_256 : vector<16xf32> to vector<1x16xf32>
        tpu.vector_store %arg8[%swap3A_257, %swap3A_258], %swap3A_261 {strides = array<i32>} : memref<400x64xf32, #tpu.memory_space<vmem>>, vector<1x16xf32>,
        %get3A_262 = arith.index_cast %add3A_231 : i32 to index
        %get3A_263 = arith.constant 48 : index
        %get3A_264 = tpu.vector_load %arg8[%get3A_262, %get3A_263] {strides = array<i32>} : memref<400x64xf32, #tpu.memory_space<vmem>>, vector<1x16xf32>,
        %get3A_265 = vector.shape_cast %get3A_264 : vector<1x16xf32> to vector<16xf32>
        %add3A_266 = arith.addf %get3A_265, %get3A_104 : vector<16xf32>
        %swap3A_267 = arith.index_cast %add3A_231 : i32 to index
        %swap3A_268 = arith.constant 48 : index
        %swap3A_269 = tpu.vector_load %arg8[%swap3A_267, %swap3A_268] {strides = array<i32>} : memref<400x64xf32, #tpu.memory_space<vmem>>, vector<1x16xf32>,
        %swap3A_270 = vector.shape_cast %swap3A_269 : vector<1x16xf32> to vector<16xf32>
        %swap3A_271 = vector.shape_cast %add3A_266 : vector<16xf32> to vector<1x16xf32>
        tpu.vector_store %arg8[%swap3A_267, %swap3A_268], %swap3A_271 {strides = array<i32>} : memref<400x64xf32, #tpu.memory_space<vmem>>, vector<1x16xf32>,
        %add3A_272 = arith.constant 200 : i32
        %add3A_273 = arith.addi %add3A_89, %add3A_272 : i32
        %get3A_274 = arith.index_cast %add3A_273 : i32 to index
        %get3A_275 = arith.constant 0 : index
        %get3A_276 = tpu.vector_load %arg8[%get3A_274, %get3A_275] {strides = array<i32>} : memref<400x64xf32, #tpu.memory_space<vmem>>, vector<1x16xf32>,
        %get3A_277 = vector.shape_cast %get3A_276 : vector<1x16xf32> to vector<16xf32>
        %add3A_278 = arith.addf %get3A_277, %get3A_92 : vector<16xf32>
        %swap3A_279 = arith.index_cast %add3A_273 : i32 to index
        %swap3A_280 = arith.constant 0 : index
        %swap3A_281 = tpu.vector_load %arg8[%swap3A_279, %swap3A_280] {strides = array<i32>} : memref<400x64xf32, #tpu.memory_space<vmem>>, vector<1x16xf32>,
        %swap3A_282 = vector.shape_cast %swap3A_281 : vector<1x16xf32> to vector<16xf32>
        %swap3A_283 = vector.shape_cast %add3A_278 : vector<16xf32> to vector<1x16xf32>
        tpu.vector_store %arg8[%swap3A_279, %swap3A_280], %swap3A_283 {strides = array<i32>} : memref<400x64xf32, #tpu.memory_space<vmem>>, vector<1x16xf32>,
        %get3A_284 = arith.index_cast %add3A_273 : i32 to index
        %get3A_285 = arith.constant 16 : index
        %get3A_286 = tpu.vector_load %arg8[%get3A_284, %get3A_285] {strides = array<i32>} : memref<400x64xf32, #tpu.memory_space<vmem>>, vector<1x16xf32>,
        %get3A_287 = vector.shape_cast %get3A_286 : vector<1x16xf32> to vector<16xf32>
        %add3A_288 = arith.addf %get3A_287, %get3A_96 : vector<16xf32>
        %swap3A_289 = arith.index_cast %add3A_273 : i32 to index
        %swap3A_290 = arith.constant 16 : index
        %swap3A_291 = tpu.vector_load %arg8[%swap3A_289, %swap3A_290] {strides = array<i32>} : memref<400x64xf32, #tpu.memory_space<vmem>>, vector<1x16xf32>,
        %swap3A_292 = vector.shape_cast %swap3A_291 : vector<1x16xf32> to vector<16xf32>
        %swap3A_293 = vector.shape_cast %add3A_288 : vector<16xf32> to vector<1x16xf32>
        tpu.vector_store %arg8[%swap3A_289, %swap3A_290], %swap3A_293 {strides = array<i32>} : memref<400x64xf32, #tpu.memory_space<vmem>>, vector<1x16xf32>,
        %get3A_294 = arith.index_cast %add3A_273 : i32 to index
        %get3A_295 = arith.constant 32 : index
        %get3A_296 = tpu.vector_load %arg8[%get3A_294, %get3A_295] {strides = array<i32>} : memref<400x64xf32, #tpu.memory_space<vmem>>, vector<1x16xf32>,
        %get3A_297 = vector.shape_cast %get3A_296 : vector<1x16xf32> to vector<16xf32>
        %add3A_298 = arith.addf %get3A_297, %get3A_100 : vector<16xf32>
        %swap3A_299 = arith.index_cast %add3A_273 : i32 to index
        %swap3A_300 = arith.constant 32 : index
        %swap3A_301 = tpu.vector_load %arg8[%swap3A_299, %swap3A_300] {strides = array<i32>} : memref<400x64xf32, #tpu.memory_space<vmem>>, vector<1x16xf32>,
        %swap3A_302 = vector.shape_cast %swap3A_301 : vector<1x16xf32> to vector<16xf32>
        %swap3A_303 = vector.shape_cast %add3A_298 : vector<16xf32> to vector<1x16xf32>
        tpu.vector_store %arg8[%swap3A_299, %swap3A_300], %swap3A_303 {strides = array<i32>} : memref<400x64xf32, #tpu.memory_space<vmem>>, vector<1x16xf32>,
        %get3A_304 = arith.index_cast %add3A_273 : i32 to index
        %get3A_305 = arith.constant 48 : index
        %get3A_306 = tpu.vector_load %arg8[%get3A_304, %get3A_305] {strides = array<i32>} : memref<400x64xf32, #tpu.memory_space<vmem>>, vector<1x16xf32>,
        %get3A_307 = vector.shape_cast %get3A_306 : vector<1x16xf32> to vector<16xf32>
        %add3A_308 = arith.addf %get3A_307, %get3A_104 : vector<16xf32>
        %swap3A_309 = arith.index_cast %add3A_273 : i32 to index
        %swap3A_310 = arith.constant 48 : index
        %swap3A_311 = tpu.vector_load %arg8[%swap3A_309, %swap3A_310] {strides = array<i32>} : memref<400x64xf32, #tpu.memory_space<vmem>>, vector<1x16xf32>,
        %swap3A_312 = vector.shape_cast %swap3A_311 : vector<1x16xf32> to vector<16xf32>
        %swap3A_313 = vector.shape_cast %add3A_308 : vector<16xf32> to vector<1x16xf32>
        tpu.vector_store %arg8[%swap3A_309, %swap3A_310], %swap3A_313 {strides = array<i32>} : memref<400x64xf32, #tpu.memory_space<vmem>>, vector<1x16xf32>,
        %add3A_314 = arith.constant 250 : i32
        %add3A_315 = arith.addi %add3A_89, %add3A_314 : i32
        %get3A_316 = arith.index_cast %add3A_315 : i32 to index
        %get3A_317 = arith.constant 0 : index
        %get3A_318 = tpu.vector_load %arg8[%get3A_316, %get3A_317] {strides = array<i32>} : memref<400x64xf32, #tpu.memory_space<vmem>>, vector<1x16xf32>,
        %get3A_319 = vector.shape_cast %get3A_318 : vector<1x16xf32> to vector<16xf32>
        %add3A_320 = arith.addf %get3A_319, %get3A_92 : vector<16xf32>
        %swap3A_321 = arith.index_cast %add3A_315 : i32 to index
        %swap3A_322 = arith.constant 0 : index
        %swap3A_323 = tpu.vector_load %arg8[%swap3A_321, %swap3A_322] {strides = array<i32>} : memref<400x64xf32, #tpu.memory_space<vmem>>, vector<1x16xf32>,
        %swap3A_324 = vector.shape_cast %swap3A_323 : vector<1x16xf32> to vector<16xf32>
        %swap3A_325 = vector.shape_cast %add3A_320 : vector<16xf32> to vector<1x16xf32>
        tpu.vector_store %arg8[%swap3A_321, %swap3A_322], %swap3A_325 {strides = array<i32>} : memref<400x64xf32, #tpu.memory_space<vmem>>, vector<1x16xf32>,
        %get3A_326 = arith.index_cast %add3A_315 : i32 to index
        %get3A_327 = arith.constant 16 : index
        %get3A_328 = tpu.vector_load %arg8[%get3A_326, %get3A_327] {strides = array<i32>} : memref<400x64xf32, #tpu.memory_space<vmem>>, vector<1x16xf32>,
        %get3A_329 = vector.shape_cast %get3A_328 : vector<1x16xf32> to vector<16xf32>
        %add3A_330 = arith.addf %get3A_329, %get3A_96 : vector<16xf32>
        %swap3A_331 = arith.index_cast %add3A_315 : i32 to index
        %swap3A_332 = arith.constant 16 : index
        %swap3A_333 = tpu.vector_load %arg8[%swap3A_331, %swap3A_332] {strides = array<i32>} : memref<400x64xf32, #tpu.memory_space<vmem>>, vector<1x16xf32>,
        %swap3A_334 = vector.shape_cast %swap3A_333 : vector<1x16xf32> to vector<16xf32>
        %swap3A_335 = vector.shape_cast %add3A_330 : vector<16xf32> to vector<1x16xf32>
        tpu.vector_store %arg8[%swap3A_331, %swap3A_332], %swap3A_335 {strides = array<i32>} : memref<400x64xf32, #tpu.memory_space<vmem>>, vector<1x16xf32>,
        %get3A_336 = arith.index_cast %add3A_315 : i32 to index
        %get3A_337 = arith.constant 32 : index
        %get3A_338 = tpu.vector_load %arg8[%get3A_336, %get3A_337] {strides = array<i32>} : memref<400x64xf32, #tpu.memory_space<vmem>>, vector<1x16xf32>,
        %get3A_339 = vector.shape_cast %get3A_338 : vector<1x16xf32> to vector<16xf32>
        %add3A_340 = arith.addf %get3A_339, %get3A_100 : vector<16xf32>
        %swap3A_341 = arith.index_cast %add3A_315 : i32 to index
        %swap3A_342 = arith.constant 32 : index
        %swap3A_343 = tpu.vector_load %arg8[%swap3A_341, %swap3A_342] {strides = array<i32>} : memref<400x64xf32, #tpu.memory_space<vmem>>, vector<1x16xf32>,
        %swap3A_344 = vector.shape_cast %swap3A_343 : vector<1x16xf32> to vector<16xf32>
        %swap3A_345 = vector.shape_cast %add3A_340 : vector<16xf32> to vector<1x16xf32>
        tpu.vector_store %arg8[%swap3A_341, %swap3A_342], %swap3A_345 {strides = array<i32>} : memref<400x64xf32, #tpu.memory_space<vmem>>, vector<1x16xf32>,
        %get3A_346 = arith.index_cast %add3A_315 : i32 to index
        %get3A_347 = arith.constant 48 : index
        %get3A_348 = tpu.vector_load %arg8[%get3A_346, %get3A_347] {strides = array<i32>} : memref<400x64xf32, #tpu.memory_space<vmem>>, vector<1x16xf32>,
        %get3A_349 = vector.shape_cast %get3A_348 : vector<1x16xf32> to vector<16xf32>
        %add3A_350 = arith.addf %get3A_349, %get3A_104 : vector<16xf32>
        %swap3A_351 = arith.index_cast %add3A_315 : i32 to index
        %swap3A_352 = arith.constant 48 : index
        %swap3A_353 = tpu.vector_load %arg8[%swap3A_351, %swap3A_352] {strides = array<i32>} : memref<400x64xf32, #tpu.memory_space<vmem>>, vector<1x16xf32>,
        %swap3A_354 = vector.shape_cast %swap3A_353 : vector<1x16xf32> to vector<16xf32>
        %swap3A_355 = vector.shape_cast %add3A_350 : vector<16xf32> to vector<1x16xf32>
        tpu.vector_store %arg8[%swap3A_351, %swap3A_352], %swap3A_355 {strides = array<i32>} : memref<400x64xf32, #tpu.memory_space<vmem>>, vector<1x16xf32>,
        %add3A_356 = arith.constant 300 : i32
        %add3A_357 = arith.addi %add3A_89, %add3A_356 : i32
        %get3A_358 = arith.index_cast %add3A_357 : i32 to index
        %get3A_359 = arith.constant 0 : index
        %get3A_360 = tpu.vector_load %arg8[%get3A_358, %get3A_359] {strides = array<i32>} : memref<400x64xf32, #tpu.memory_space<vmem>>, vector<1x16xf32>,
        %get3A_361 = vector.shape_cast %get3A_360 : vector<1x16xf32> to vector<16xf32>
        %add3A_362 = arith.addf %get3A_361, %get3A_92 : vector<16xf32>
        %swap3A_363 = arith.index_cast %add3A_357 : i32 to index
        %swap3A_364 = arith.constant 0 : index
        %swap3A_365 = tpu.vector_load %arg8[%swap3A_363, %swap3A_364] {strides = array<i32>} : memref<400x64xf32, #tpu.memory_space<vmem>>, vector<1x16xf32>,
        %swap3A_366 = vector.shape_cast %swap3A_365 : vector<1x16xf32> to vector<16xf32>
        %swap3A_367 = vector.shape_cast %add3A_362 : vector<16xf32> to vector<1x16xf32>
        tpu.vector_store %arg8[%swap3A_363, %swap3A_364], %swap3A_367 {strides = array<i32>} : memref<400x64xf32, #tpu.memory_space<vmem>>, vector<1x16xf32>,
        %get3A_368 = arith.index_cast %add3A_357 : i32 to index
        %get3A_369 = arith.constant 16 : index
        %get3A_370 = tpu.vector_load %arg8[%get3A_368, %get3A_369] {strides = array<i32>} : memref<400x64xf32, #tpu.memory_space<vmem>>, vector<1x16xf32>,
        %get3A_371 = vector.shape_cast %get3A_370 : vector<1x16xf32> to vector<16xf32>
        %add3A_372 = arith.addf %get3A_371, %get3A_96 : vector<16xf32>
        %swap3A_373 = arith.index_cast %add3A_357 : i32 to index
        %swap3A_374 = arith.constant 16 : index
        %swap3A_375 = tpu.vector_load %arg8[%swap3A_373, %swap3A_374] {strides = array<i32>} : memref<400x64xf32, #tpu.memory_space<vmem>>, vector<1x16xf32>,
        %swap3A_376 = vector.shape_cast %swap3A_375 : vector<1x16xf32> to vector<16xf32>
        %swap3A_377 = vector.shape_cast %add3A_372 : vector<16xf32> to vector<1x16xf32>
        tpu.vector_store %arg8[%swap3A_373, %swap3A_374], %swap3A_377 {strides = array<i32>} : memref<400x64xf32, #tpu.memory_space<vmem>>, vector<1x16xf32>,
        %get3A_378 = arith.index_cast %add3A_357 : i32 to index
        %get3A_379 = arith.constant 32 : index
        %get3A_380 = tpu.vector_load %arg8[%get3A_378, %get3A_379] {strides = array<i32>} : memref<400x64xf32, #tpu.memory_space<vmem>>, vector<1x16xf32>,
        %get3A_381 = vector.shape_cast %get3A_380 : vector<1x16xf32> to vector<16xf32>
        %add3A_382 = arith.addf %get3A_381, %get3A_100 : vector<16xf32>
        %swap3A_383 = arith.index_cast %add3A_357 : i32 to index
        %swap3A_384 = arith.constant 32 : index
        %swap3A_385 = tpu.vector_load %arg8[%swap3A_383, %swap3A_384] {strides = array<i32>} : memref<400x64xf32, #tpu.memory_space<vmem>>, vector<1x16xf32>,
        %swap3A_386 = vector.shape_cast %swap3A_385 : vector<1x16xf32> to vector<16xf32>
        %swap3A_387 = vector.shape_cast %add3A_382 : vector<16xf32> to vector<1x16xf32>
        tpu.vector_store %arg8[%swap3A_383, %swap3A_384], %swap3A_387 {strides = array<i32>} : memref<400x64xf32, #tpu.memory_space<vmem>>, vector<1x16xf32>,
        %get3A_388 = arith.index_cast %add3A_357 : i32 to index
        %get3A_389 = arith.constant 48 : index
        %get3A_390 = tpu.vector_load %arg8[%get3A_388, %get3A_389] {strides = array<i32>} : memref<400x64xf32, #tpu.memory_space<vmem>>, vector<1x16xf32>,
        %get3A_391 = vector.shape_cast %get3A_390 : vector<1x16xf32> to vector<16xf32>
        %add3A_392 = arith.addf %get3A_391, %get3A_104 : vector<16xf32>
        %swap3A_393 = arith.index_cast %add3A_357 : i32 to index
        %swap3A_394 = arith.constant 48 : index
        %swap3A_395 = tpu.vector_load %arg8[%swap3A_393, %swap3A_394] {strides = array<i32>} : memref<400x64xf32, #tpu.memory_space<vmem>>, vector<1x16xf32>,
        %swap3A_396 = vector.shape_cast %swap3A_395 : vector<1x16xf32> to vector<16xf32>
        %swap3A_397 = vector.shape_cast %add3A_392 : vector<16xf32> to vector<1x16xf32>
        tpu.vector_store %arg8[%swap3A_393, %swap3A_394], %swap3A_397 {strides = array<i32>} : memref<400x64xf32, #tpu.memory_space<vmem>>, vector<1x16xf32>,
        %add3A_398 = arith.constant 350 : i32
        %add3A_399 = arith.addi %add3A_89, %add3A_398 : i32
        %get3A_400 = arith.index_cast %add3A_399 : i32 to index
        %get3A_401 = arith.constant 0 : index
        %get3A_402 = tpu.vector_load %arg8[%get3A_400, %get3A_401] {strides = array<i32>} : memref<400x64xf32, #tpu.memory_space<vmem>>, vector<1x16xf32>,
        %get3A_403 = vector.shape_cast %get3A_402 : vector<1x16xf32> to vector<16xf32>
        %add3A_404 = arith.addf %get3A_403, %get3A_92 : vector<16xf32>
        %swap3A_405 = arith.index_cast %add3A_399 : i32 to index
        %swap3A_406 = arith.constant 0 : index
        %swap3A_407 = tpu.vector_load %arg8[%swap3A_405, %swap3A_406] {strides = array<i32>} : memref<400x64xf32, #tpu.memory_space<vmem>>, vector<1x16xf32>,
        %swap3A_408 = vector.shape_cast %swap3A_407 : vector<1x16xf32> to vector<16xf32>
        %swap3A_409 = vector.shape_cast %add3A_404 : vector<16xf32> to vector<1x16xf32>
        tpu.vector_store %arg8[%swap3A_405, %swap3A_406], %swap3A_409 {strides = array<i32>} : memref<400x64xf32, #tpu.memory_space<vmem>>, vector<1x16xf32>,
        %get3A_410 = arith.index_cast %add3A_399 : i32 to index
        %get3A_411 = arith.constant 16 : index
        %get3A_412 = tpu.vector_load %arg8[%get3A_410, %get3A_411] {strides = array<i32>} : memref<400x64xf32, #tpu.memory_space<vmem>>, vector<1x16xf32>,
        %get3A_413 = vector.shape_cast %get3A_412 : vector<1x16xf32> to vector<16xf32>
        %add3A_414 = arith.addf %get3A_413, %get3A_96 : vector<16xf32>
        %swap3A_415 = arith.index_cast %add3A_399 : i32 to index
        %swap3A_416 = arith.constant 16 : index
        %swap3A_417 = tpu.vector_load %arg8[%swap3A_415, %swap3A_416] {strides = array<i32>} : memref<400x64xf32, #tpu.memory_space<vmem>>, vector<1x16xf32>,
        %swap3A_418 = vector.shape_cast %swap3A_417 : vector<1x16xf32> to vector<16xf32>
        %swap3A_419 = vector.shape_cast %add3A_414 : vector<16xf32> to vector<1x16xf32>
        tpu.vector_store %arg8[%swap3A_415, %swap3A_416], %swap3A_419 {strides = array<i32>} : memref<400x64xf32, #tpu.memory_space<vmem>>, vector<1x16xf32>,
        %get3A_420 = arith.index_cast %add3A_399 : i32 to index
        %get3A_421 = arith.constant 32 : index
        %get3A_422 = tpu.vector_load %arg8[%get3A_420, %get3A_421] {strides = array<i32>} : memref<400x64xf32, #tpu.memory_space<vmem>>, vector<1x16xf32>,
        %get3A_423 = vector.shape_cast %get3A_422 : vector<1x16xf32> to vector<16xf32>
        %add3A_424 = arith.addf %get3A_423, %get3A_100 : vector<16xf32>
        %swap3A_425 = arith.index_cast %add3A_399 : i32 to index
        %swap3A_426 = arith.constant 32 : index
        %swap3A_427 = tpu.vector_load %arg8[%swap3A_425, %swap3A_426] {strides = array<i32>} : memref<400x64xf32, #tpu.memory_space<vmem>>, vector<1x16xf32>,
        %swap3A_428 = vector.shape_cast %swap3A_427 : vector<1x16xf32> to vector<16xf32>
        %swap3A_429 = vector.shape_cast %add3A_424 : vector<16xf32> to vector<1x16xf32>
        tpu.vector_store %arg8[%swap3A_425, %swap3A_426], %swap3A_429 {strides = array<i32>} : memref<400x64xf32, #tpu.memory_space<vmem>>, vector<1x16xf32>,
        %get3A_430 = arith.index_cast %add3A_399 : i32 to index
        %get3A_431 = arith.constant 48 : index
        %get3A_432 = tpu.vector_load %arg8[%get3A_430, %get3A_431] {strides = array<i32>} : memref<400x64xf32, #tpu.memory_space<vmem>>, vector<1x16xf32>,
        %get3A_433 = vector.shape_cast %get3A_432 : vector<1x16xf32> to vector<16xf32>
        %add3A_434 = arith.addf %get3A_433, %get3A_104 : vector<16xf32>
        %swap3A_435 = arith.index_cast %add3A_399 : i32 to index
        %swap3A_436 = arith.constant 48 : index
        %swap3A_437 = tpu.vector_load %arg8[%swap3A_435, %swap3A_436] {strides = array<i32>} : memref<400x64xf32, #tpu.memory_space<vmem>>, vector<1x16xf32>,
        %swap3A_438 = vector.shape_cast %swap3A_437 : vector<1x16xf32> to vector<16xf32>
        %swap3A_439 = vector.shape_cast %add3A_434 : vector<16xf32> to vector<1x16xf32>
        tpu.vector_store %arg8[%swap3A_435, %swap3A_436], %swap3A_439 {strides = array<i32>} : memref<400x64xf32, #tpu.memory_space<vmem>>, vector<1x16xf32>,
      }
      %scan3A_77 = arith.constant 50 : i32
      %mul3A_78 = arith.constant 400 : i32
      %mul3A_79 = arith.muli %add3A_54, %mul3A_78 : i32
      %add3A_80 = arith.addi %mul3A_2, %mul3A_79 : i32
      %dma_start3A_81 = arith.constant 0 : i32
      %dma_start3A_82 = tpu.memref_slice %arg5[%add3A_80, %dma_start3A_81] : memref<204800x64xf32, #tpu.memory_space<hbm>> -> memref<400x64xf32, #tpu.memory_space<hbm>>
      %dma_start3A_83 = arith.constant 0 : i32
      %dma_start3A_84 = tpu.memref_slice %arg5[%add3A_80, %dma_start3A_83] : memref<204800x64xf32, #tpu.memory_space<hbm>> -> memref<400x64xf32, #tpu.memory_space<hbm>>
      tpu.enqueue_dma source(%arg8 : memref<400x64xf32, #tpu.memory_space<vmem>>) target(%dma_start3A_84 : memref<400x64xf32, #tpu.memory_space<hbm>>) target_semaphore(%arg13 : memref<!tpu.dma_semaphore, #tpu.memory_space<semaphore_mem>>)
    }
    %scan3A_10 = arith.constant 8 : i32
    %dma_wait3A = arith.constant 0 : i32
    %dma_wait3A_11 = arith.constant 0 : i32
    %dma_wait3A_12 = tpu.memref_slice %arg5[%dma_wait3A, %dma_wait3A_11] : memref<204800x64xf32, #tpu.memory_space<hbm>> -> memref<400x64xf32, #tpu.memory_space<hbm>>
    %dma_wait3A_13 = arith.constant 0 : i32
    %dma_wait3A_14 = arith.constant 0 : i32
    %dma_wait3A_15 = tpu.memref_slice %arg5[%dma_wait3A_13, %dma_wait3A_14] : memref<204800x64xf32, #tpu.memory_space<hbm>> -> memref<400x64xf32, #tpu.memory_space<hbm>>
    tpu.wait_dma2 semaphore(%arg13 : memref<!tpu.dma_semaphore, #tpu.memory_space<semaphore_mem>>) src(%arg8 : memref<400x64xf32, #tpu.memory_space<vmem>>) dst(%dma_wait3A_15 : memref<400x64xf32, #tpu.memory_space<hbm>>)
    return
  }
}

</mosaic_0001>

<sc_bundles>
// kernel: kernel.3.cloned.1.call-start
scs
__scs_entry_jumppad:
0x0: {  	(pc) =	sbr.rel $0x88, $3  }
0x1: {  	(tag) =	ssettag $0x0;
	lr =	simm.s32 $0x1  }
0x2: {  	[smem:$0x3F9F] =	sst lr;
	_ =	strace $0xD0000000  }
0x3: {  	_ = 	snop  }
0x4: {  	_ = 	snop  }
0x5: {  	_ = 	snop  }
0x6: {  	_ = 	snop  }
0x7: {  	_ = 	snop  }
__scs_overlays_trampoline_lowered:
0x8: {  	[smem:$0x3FAE] =	sst s0  }
0x9: {  	[smem:$0x3FAF] =	sst s1  }
0xa: {  	[smem:$0x3FB0] =	sst s2  }
0xb: {  	[smem:$0x3FB1] =	sst s3  }
0xc: {  	[smem:$0x3FB2] =	sst s4  }
0xd: {  	[smem:$0x3FB3] =	sst s5  }
0xe: {  	[smem:$0x3FB4] =	sst s6  }
0xf: {  	[smem:$0x3FB5] =	sst s7  }
0x10: {  	[smem:$0x3FB6] =	sst s8  }
0x11: {  	[smem:$0x3FB7] =	sst s9;
	s0 =	simm.s32 @!p0 $0x0  }
0x12: {  	s1 =	sld [smem:$0x3F9D];
	s0 =	simm.s32 @p0 $0x1  }
0x13: {  	[smem:$0x3FB8] =	sst s0;
	s0 =	simm.s32 @!p1 $0x0  }
0x14: {  	s2 =	sld [smem:$0x3F9C];
	s0 =	simm.s32 @p1 $0x1  }
0x15: {  	[smem:$0x3FB9] =	sst s0;
	s0 =	simm.s32 @!p2 $0x0  }
0x16: {  	s3 =	sld [smem:$0x3FDB];
	s0 =	simm.s32 @p2 $0x1  }
0x17: {  	s4 =	simm.s32 $0x1BF5;
	[smem:$0x3FBB] =	sst s0  }
0x18: {  	s0 =	sld [smem:$0x3F9E];
	_ =	swait.ge [sflag:s4], $0x0  }
0x19: {  	s7 =	sld [smem:$0x3F9F]  }
0x1a: {  	s8 =	sadd.s32 $0xFFFFE003, lr  }
0x1b: {  	s9 =	sadd.s32 $0xFFFFFEF7, lr;
	s5 =	simm.s32 $0xFFFFFFFF;
	p2 =	slt.u32 s8, $0xFFFFF086  }
0x1c: {  	p1 =	slt.u32 s9, $0xF7A;
	s5 =	simm.s32 @!p2 $0x0  }
0x1d: {  	s5 =	simm.s32 @p1 $0x1;
	p0 =	seq.s32 s7, s2  }
0x1e: {  	s7 =	smul.u32 @!p0 $0xF7A, s2;
	p2 =	seq.s32 @!p0 s5, $0x0  }
0x1f: {  	s9 =	smul.u32 $0xF7A, s1;
	s8 =	simm.s32 @!p0 $0x1BF5;
	p2 =	por !p2, p0  }
0x20: {  	[sflag:s8] =	ssyncset.s32 @!p0 $0xFFFFF086;
	s6 =	sadd.s32 @!p0 s3, s7;
	s7 =	simm.s32 @!p0 $0x108  }
0x21: {  	s3 =	sadd.s32 s3, s9;
	s6 =	sadd.s32 @!p0 $0x88, s6;
	s7 =	simm.s32 @p2 $0x1082  }
0x22: {  	[simem:s7], [sflag:s8] =	dma.local @!p0 [hbm:s6], $0xF7A  }
0x23: {  	s9 =	sor.u32 $0xD0000000, s2;
	s6 =	simm.s32 $0x108;
	_ =	swait.ge @!p0 [sflag:s8], $0x0  }
0x24: {  	s3 =	sadd.s32 $0x88, s3;
	s6 =	simm.s32 @!p1 $0x1082;
	[sflag:s4] =	ssyncset.s32 $0xFFFFF086  }
0x25: {  	[simem:s6], [sflag:s4] =	dma.local [hbm:s3], $0xF7A  }
0x26: {  	[smem:$0x3F9F] =	sst s1;
	(tag) =	ssettag s2;
	_ =	strace s9  }
0x27: {  	s1 =	sld [smem:$0x3FAF]  }
0x28: {  	s2 =	sld [smem:$0x3FB0]  }
0x29: {  	s4 =	sld [smem:$0x3FB2]  }
0x2a: {  	p0 =	seq.s32 s5, $0x0;
	s5 =	sld [smem:$0x3FB3]  }
0x2b: {  	s6 =	sld [smem:$0x3FB4]  }
0x2c: {  	s7 =	sld [smem:$0x3FB5]  }
0x2d: {  	s3 =	simm.s32 $0x108;
	s8 =	sld [smem:$0x3FB6]  }
0x2e: {  	s3 =	simm.s32 @!p0 $0x1082;
	s9 =	sld [smem:$0x3FB7]  }
0x2f: {  	lr =	sadd.s32 s0, s3;
	s0 =	sld [smem:$0x3FAE]  }
0x30: {  	s3 =	sld [smem:$0x3FB1]  }
0x31: {  	[smem:$0x3FBA] =	sst s10  }
0x32: {  	s10 =	sld [smem:$0x3FB8];
	_ =	sdelay $0x3  }
0x33: {  	p0 =	seq.s32 s10, $0x1;
	s10 =	sld [smem:$0x3FBA];
	_ =	sdelay $0x3  }
0x34: {  	[smem:$0x3FBA] =	sst s10  }
0x35: {  	s10 =	sld [smem:$0x3FB9];
	_ =	sdelay $0x3  }
0x36: {  	p1 =	seq.s32 s10, $0x1;
	s10 =	sld [smem:$0x3FBA];
	_ =	sdelay $0x3  }
0x37: {  	[smem:$0x3FBA] =	sst s10  }
0x38: {  	s10 =	sld [smem:$0x3FBB]  }
0x39: {  	_ = 	snop;
	(pc) =	sbr.ind lr, $3  }
0x3a: {  	_ = 	snop  }
0x3b: {  	_ = 	snop  }
0x3c: {  	p2 =	seq.s32 s10, $0x1;
	s10 =	sld [smem:$0x3FBA]  }
0x3d: {  	_ =	shalt  }
0x3e: {  	_ =	shalt  }
0x3f: {  	_ =	shalt  }
0x40: {  	_ =	shalt  }
0x41: {  	_ =	shalt  }
0x42: {  	_ =	shalt  }
0x43: {  	_ =	shalt  }
0x44: {  	_ =	shalt  }
0x45: {  	_ =	shalt  }
0x46: {  	_ =	shalt  }
0x47: {  	_ =	shalt  }
0x48: {  	_ =	shalt  }
0x49: {  	_ =	shalt  }
0x4a: {  	_ =	shalt  }
0x4b: {  	_ =	shalt  }
0x4c: {  	_ =	shalt  }
0x4d: {  	_ =	shalt  }
0x4e: {  	_ =	shalt  }
0x4f: {  	_ =	shalt  }
0x50: {  	_ =	shalt  }
0x51: {  	_ =	shalt  }
0x52: {  	_ =	shalt  }
0x53: {  	_ =	shalt  }
0x54: {  	_ =	shalt  }
0x55: {  	_ =	shalt  }
0x56: {  	_ =	shalt  }
0x57: {  	_ =	shalt  }
0x58: {  	_ =	shalt  }
0x59: {  	_ =	shalt  }
0x5a: {  	_ =	shalt  }
0x5b: {  	_ =	shalt  }
0x5c: {  	_ =	shalt  }
0x5d: {  	_ =	shalt  }
0x5e: {  	_ =	shalt  }
0x5f: {  	_ =	shalt  }
0x60: {  	_ =	shalt  }
0x61: {  	_ =	shalt  }
0x62: {  	_ =	shalt  }
0x63: {  	_ =	shalt  }
0x64: {  	_ =	shalt  }
0x65: {  	_ =	shalt  }
0x66: {  	_ =	shalt  }
0x67: {  	_ =	shalt  }
0x68: {  	_ =	shalt  }
0x69: {  	_ =	shalt  }
0x6a: {  	_ =	shalt  }
0x6b: {  	_ =	shalt  }
0x6c: {  	_ =	shalt  }
0x6d: {  	_ =	shalt  }
0x6e: {  	_ =	shalt  }
0x6f: {  	_ =	shalt  }
0x70: {  	_ =	shalt  }
0x71: {  	_ =	shalt  }
0x72: {  	_ =	shalt  }
0x73: {  	_ =	shalt  }
0x74: {  	_ =	shalt  }
0x75: {  	_ =	shalt  }
0x76: {  	_ =	shalt  }
0x77: {  	_ =	shalt  }
0x78: {  	_ =	shalt  }
0x79: {  	_ =	shalt  }
0x7a: {  	_ =	shalt  }
0x7b: {  	_ =	shalt  }
0x7c: {  	_ =	shalt  }
0x7d: {  	_ =	shalt  }
0x7e: {  	_ =	shalt  }
0x7f: {  	_ =	shalt  }
0x80: {  	_ =	shalt  }
0x81: {  	_ =	shalt  }
0x82: {  	_ =	shalt  }
0x83: {  	_ =	shalt  }
0x84: {  	_ =	shalt  }
0x85: {  	_ =	shalt  }
0x86: {  	_ =	shalt  }
0x87: {  	_ =	shalt  }
.Lfunc_end0:
.L_simem_size_0:
called_computation.1_lowered:
.L_overlay_start_0:
0x88: {  	s2 =	sld [smem:$0x3FD9]  }
0x89: {  	s3 =	sld [smem:$0x3FFE];
	_ =	sdelay $0x1  }
0x8a: {  	s1 =	srdreg.scid  }
0x8b: {  	s0 =	sand.u32 $0x1, s1  }
0x8c: {  	s17 =	sshll.u32 s0, $0xA;
	s2 =	sadd.s32 s3, s2  }
0x8d: {  	s2 =	sadd.s32 s2, s17  }
0x8e: {  	[smem:$0x3FC6] =	sst s2  }
0x8f: {  	_ = 	snop  }
0x90: {  	s2 =	sld [smem:$0x3FD0];
	(tm) =	ssettm $0x1  }
0x91: {  	s18 =	sld [smem:$0x3FFB];
	_ =	sdelay $0x3  }
0x92: {  	_ =	strace s18  }
0x93: {  	s3 =	sld [smem:$0x3FFC];
	_ =	sdelay $0x3  }
0x94: {  	_ =	strace s3  }
0x95: {  	s3 =	sld [smem:$0x3FFD];
	_ =	sdelay $0x3  }
0x96: {  	_ =	strace s3  }
0x97: {  	_ =	strace $0x8FFFFFFF  }
0x98: {  	s19 =	sld [smem:$0x3FDB];
	_ =	sdelay $0x1  }
0x99: {  	s4 =	simm.s32 $_scs_section_size  }
0x9a: {  	s5 =	simm.s32 $_size__tile_overlayer_lowered;
	s6 =	simm.s32 $_tile_overlayer_lowered  }
0x9b: {  	s22 =	simm.s32 $0x1BFF;
	s21 =	sshll.u32 s6, $0x1;
	s3 =	sadd.s32 s4, s19  }
0x9c: {  	s7 =	simm.s32 $0x0;
	s20 =	sshll.u32 s5, $0x1;
	s5 =	sadd.s32 s21, s3  }
0x9d: {  	[timem:s7], [sflag:s22] =	dma.local [hbm:s5], s20  }
0x9e: {  	_ =	swait.ge [sflag:s22], s20  }
0x9f: {  	s4 =	ssub.s32 $0x0, s20;
	[sflag:s22] =	ssyncset.done $0x0  }
0xa0: {  	[sflag:s22] =	ssyncadd.s32 s4;
	_ =	sdelay $0x1  }
0xa1: {  	s23 =	simm.s32 $0x1B8B  }
0xa2: {  	_ =	swait.ge [sflag:s23], $0x1  }
0xa3: {  	[sflag:s23] =	ssyncset.done $0x0  }
0xa4: {  	s25 =	simm.s32 $0x1B8E;
	s24 =	sld [smem:$0x3FFE];
	[sflag:s23] =	ssyncadd.s32 $0xFFFFFFFF  }
0xa5: {  	s26 =	simm.s32 $execute0_lowered;
	[smem:$0x3FD2] =	sst s25  }
0xa6: {  	s5 =	sshll.u32 s26, $0x1;
	_ =	strace $0x80000046;
	[dreg:$0x1] =	wrdreg $0xFFFFFFFF  }
0xa7: {  	s28 =	simm.s32 $_size_execute0_lowered;
	s3 =	sadd.s32 s3, s5;
	[dreg:$0x0] =	wrdreg $0x0  }
0xa8: {  	s5 =	sshll.u32 s28, $0x1;
	[dreg:$0x2] =	wrdreg s3  }
0xa9: {  	[dreg:$0x3] =	wrdreg s5  }
0xaa: {  	[dreg:$0x4] =	wrdreg $0xC0  }
0xab: {  	_ =	task [dreg:s7], $0x5FFFF  }
0xac: {  	[dreg:$0x1] =	wrdreg $0xFFFFFFFF  }
0xad: {  	[dreg:$0x0] =	wrdreg $0x60  }
0xae: {  	[dreg:$0x2] =	wrdreg s24  }
0xaf: {  	[dreg:$0x3] =	wrdreg s2  }
0xb0: {  	[dreg:$0x4] =	wrdreg $0x9  }
0xb1: {  	_ =	task.clear_ibuf [dreg:s7], $0x5FFFF;
	_ =	strace $0x90000046  }
0xb2: {  	s29 =	simm.s32 $0x9;
	_ =	strace $0x80000048  }
0xb3: {  	_ =	swait.ge [sflag:s29], $0x1  }
0xb4: {  	[sflag:s29] =	ssyncadd.s32 $0xFFFFFFFF  }
0xb5: {  	_ =	strace $0x90000048  }
0xb6: {  	_ =	sfence  }
0xb7: {  	s30 =	sld [smem:$0x0];
	_ =	sdelay $0x2  }
0xb8: {  	s31 =	sshll.u32 s1, $0xD;
	s1 =	sshrl.u32 s1, $0x2  }
0xb9: {  	s3 =	sand.u32 $0x4000, s31;
	s1 =	sadd.s32 s1, s30  }
0xba: {  	s0 =	sor.u32 s3, s0;
	s1 =	sshll.u32 s1, $0x11  }
0xbb: {  	s0 =	sor.u32 s1, s0  }
0xbc: {  	s0 =	sadd.s32 $0x8F2B, s0  }
0xbd: {  	[sflag:s0] =	ssyncadd.remote.s32 $0x1  }
0xbe: {  	_ =	sfence.sel $0xFFFF  }
0xbf: {  	[dreg:$0x0] =	wrdreg $0xFFFFFFFF;
	(pc) =	sbr.abs _section_cstart, $3  }
0xc0: {  	[dreg:$0x1] =	wrdreg $0xFFFFFFFF  }
0xc1: {  	_ =	task.clear_ibuf [dreg:s7], $0x2FFFF;
	_ =	strace $0x9FFFFFFF  }
0xc2: {  	(tm) =	ssettm $0x7FFFFFFF  }
0xc3: {  	_ =	shalt  }
tec
execute0_lowered:
.L_overlay_start_1:
0x0: {  	(tag) =	ssettag $0x1  }
0x1: {  	s6 =	rddreg [dreg:$0x0];
	s1 =	srdreg.scid  }
0x2: {  	s0 =	stileid.u32;
	s2 =	rddreg [dreg:$0x1]  }
0x3: {  	s3 =	simm.s32 $0x0;
	s10 =	simm.s32 $0xE100;
	s11 =	simm.s32 $0x190  }
0x4: {  	s12 =	simm.s32 $0x1900;
	s13 =	simm.s32 $0x7D00;
	s14 =	simm.s32 $0x1  }
0x5: {  	s15 =	simm.s32 $0x3;
	s5 =	sand.u32 $0x1, s1;
	s4 =	sshll.u32 s0, $0x1  }
0x6: {  	s16 =	simm.s32 $0x2;
	s17 =	simm.s32 $0x4;
	s4 =	sor.u32 s5, s4  }
0x7: {  	s18 =	simm.s32 $0x0;
	[smem:$0x7FF] =	sst s3;
	s4 =	smul.u32 $0x1900, s4  }
0x8: {  	s1 =	rddreg [dreg:$0x2];
	_ =	strace $0x80000047;
	s7 =	ssub.s32 $0x2, s5  }
0x9: {  	s5 =	sadd.s32 $0xF42E00, s6;
	s9 =	sshrl.u32 s7, $0x1;
	s8 =	sshrl.u32 s4, $0x3  }
0xa: {  	s9 =	ssub.s32 s7, s9;
	s8 =	sadd.s32 s8, s6;
	s6 =	sadd.s32 $0x600, s6  }
0xb: {  	s7 =	sadd.s32 $0xA00, s8;
	s8 =	smax.u32 s9, $0x1;
	s9 =	simm.s32 $0x5  }
.LBB2_1:
0xc: {  	[tilespmem:s3], [sflag:$0x5] =	stream.linear.gather [hbm4b:s7+s3], $0x1900, $0x38;
	[tilespmem:$0xED80] =	vst v63  }
0xd: {  	_ =	swait.ge [sflag:s9], $0x1900  }
0xe: {  	[sflag:s9] =	ssyncset.done $0x0  }
0xf: {  	[sflag:s9] =	ssyncadd.s32 $0xFFFFE700  }
0x10: {  	[tilespmem:s10], [sflag:$0x5] =	stream.linear.gather [hbm4b:s6+s3], $0xC80, $0x38;
	[tilespmem:$0xED80] =	vst v63  }
0x11: {  	_ =	swait.ge [sflag:s9], $0xC80  }
0x12: {  	[sflag:s9] =	ssyncset.done $0x0  }
0x13: {  	s19 =	simm.s32 $0x0;
	[sflag:s9] =	ssyncadd.s32 $0xFFFFF380  }
0x14: {  	[tilespmem:s12], [sflag:$0x1] =	stream.indirect.gather [hbm4b:s5+s11], $0x40, s3, s11, $0xb8;
	[tilespmem:$0xED80] =	vst v63  }
.LBB2_2:
0x15: {  	s20 =	sshll.u32 s19, $0x1;
	p0 =	seq.s32 s19, $0x0  }
0x16: {  	s21 =	simm.s32 @!p0 $0x4;
	s20 =	sor.u32 $0x1, s20  }
0x17: {  	_ =	swait.ge @!p0 [sflag:s21], $0x6400;
	s22 =	smul.u32 $0x640, s20  }
0x18: {  	[sflag:s21] =	ssyncset.done @!p0 $0x0  }
0x19: {  	[sflag:s21] =	ssyncadd.s32 @!p0 $0xFFFF9C00;
	s31 =	sshra.s32 s22, $0x2  }
0x1a: {  	[tilespmem:s13], [sflag:$0x2] =	stream.indirect.gather [hbm4b:s5+s11], $0x40, s31, s11, $0xb8;
	[tilespmem:$0xED80] =	vst v63  }
0x1b: {  	_ =	swait.ge [sflag:s14], $0x6400  }
0x1c: {  	[sflag:s14] =	ssyncset.done $0x0  }
0x1d: {  	s21 =	simm.s32 $0x0;
	[sflag:s14] =	ssyncadd.s32 $0xFFFF9C00  }
0x1e: {  	v3 =	vld [tilespmem:s21+$0xE100]  }
0x1f: {  	v2 =	vld [tilespmem:s21+$0xE110]  }
0x20: {  	v1 =	vld [tilespmem:s21+$0xE120]  }
0x21: {  	v0 =	vld [tilespmem:s21+$0xE130]  }
0x22: {  	v4 =	vld [tilespmem:s21+$0x1900]  }
0x23: {  	v5 =	vld [tilespmem:s21+$0x1910]  }
0x24: {  	v6 =	vld [tilespmem:s21+$0x1920]  }
0x25: {  	v7 =	vld [tilespmem:s21+$0x1930]  }
0x26: {  	v8 =	vld [tilespmem:s21+$0x2580]  }
0x27: {  	v9 =	vld [tilespmem:s21+$0x2590];
	v4 =	vadd.f32 v4, v3  }
0x28: {  	v10 =	vld [tilespmem:s21+$0x25A0];
	v5 =	vadd.f32 v5, v2  }
0x29: {  	v6 =	vadd.f32 v6, v1;
	[tilespmem:s21+$0x1900] =	vst v4;
	v4 =	vld [tilespmem:s21+$0x25B0]  }
0x2a: {  	v7 =	vadd.f32 v7, v0;
	[tilespmem:s21+$0x1910] =	vst v5;
	v5 =	vld [tilespmem:s21+$0x3200]  }
0x2b: {  	v8 =	vadd.f32 v8, v3;
	[tilespmem:s21+$0x1920] =	vst v6;
	v6 =	vld [tilespmem:s21+$0x3210]  }
0x2c: {  	v9 =	vadd.f32 v9, v2;
	[tilespmem:s21+$0x1930] =	vst v7;
	v7 =	vld [tilespmem:s21+$0x3220]  }
0x2d: {  	v10 =	vadd.f32 v10, v1;
	[tilespmem:s21+$0x2580] =	vst v8;
	v8 =	vld [tilespmem:s21+$0x3230]  }
0x2e: {  	[tilespmem:s21+$0x2590] =	vst v9;
	v9 =	vld [tilespmem:s21+$0x3E80];
	v4 =	vadd.f32 v4, v0  }
0x2f: {  	[tilespmem:s21+$0x25A0] =	vst v10;
	v10 =	vld [tilespmem:s21+$0x3E90];
	v5 =	vadd.f32 v5, v3  }
0x30: {  	v6 =	vadd.f32 v6, v2;
	[tilespmem:s21+$0x25B0] =	vst v4;
	v4 =	vld [tilespmem:s21+$0x3EA0]  }
0x31: {  	v7 =	vadd.f32 v7, v1;
	[tilespmem:s21+$0x3200] =	vst v5;
	v5 =	vld [tilespmem:s21+$0x3EB0]  }
0x32: {  	v8 =	vadd.f32 v8, v0;
	[tilespmem:s21+$0x3210] =	vst v6;
	v6 =	vld [tilespmem:s21+$0x4B00]  }
0x33: {  	v9 =	vadd.f32 v9, v3;
	[tilespmem:s21+$0x3220] =	vst v7;
	v7 =	vld [tilespmem:s21+$0x4B10]  }
0x34: {  	v10 =	vadd.f32 v10, v2;
	[tilespmem:s21+$0x3230] =	vst v8;
	v8 =	vld [tilespmem:s21+$0x4B20]  }
0x35: {  	[tilespmem:s21+$0x3E80] =	vst v9;
	v9 =	vld [tilespmem:s21+$0x4B30];
	v4 =	vadd.f32 v4, v1  }
0x36: {  	[tilespmem:s21+$0x3E90] =	vst v10;
	v10 =	vld [tilespmem:s21+$0x5780]  }
0x37: {  	v5 =	vadd.f32 v5, v0;
	[tilespmem:s21+$0x3EA0] =	vst v4;
	v4 =	vld [tilespmem:s21+$0x5790]  }
0x38: {  	v6 =	vadd.f32 v6, v3  }
0x39: {  	[tilespmem:s21+$0x3EB0] =	vst v5;
	v5 =	vadd.f32 v7, v2;
	v7 =	vld [tilespmem:s21+$0x57B0]  }
0x3a: {  	v11 =	vld [tilespmem:s21+$0x57A0];
	[tilespmem:s21+$0x4B00] =	vst v6;
	v6 =	vadd.f32 v8, v1  }
0x3b: {  	v8 =	vld [tilespmem:s21+$0x6400];
	[tilespmem:s21+$0x4B10] =	vst v5;
	v5 =	vadd.f32 v9, v0  }
0x3c: {  	[tilespmem:s21+$0x4B20] =	vst v6;
	v9 =	vld [tilespmem:s21+$0x6410];
	v6 =	vadd.f32 v10, v3;
	v10 =	vadd.f32 v4, v2  }
0x3d: {  	[tilespmem:s21+$0x4B30] =	vst v5;
	v5 =	vld [tilespmem:s21+$0x6420]  }
0x3e: {  	v4 =	vld [tilespmem:s21+$0x6430];
	[tilespmem:s21+$0x5790] =	vst v10;
	v10 =	vadd.f32 v7, v0  }
0x3f: {  	v11 =	vadd.f32 v11, v1;
	[tilespmem:s21+$0x5780] =	vst v6;
	v6 =	vld [tilespmem:s21+$0x7080]  }
0x40: {  	v7 =	vld [tilespmem:s21+$0x7090];
	[tilespmem:s21+$0x57B0] =	vst v10;
	v10 =	vadd.f32 v8, v3  }
0x41: {  	s22 =	simm.s32 $0x100;
	[tilespmem:s21+$0x57A0] =	vst v11;
	v9 =	vadd.f32 v9, v2;
	v8 =	vld [tilespmem:s21+$0x70A0]  }
.LBB2_3:
0x42: {  	s23 =	sshra.s32 s22, $0x2;
	p0 =	sne.s32 s22, $0x3100;
	[tilespmem:s21+$0x6400] =	vst v10;
	v5 =	vadd.f32 v5, v1;
	v10 =	vld [tilespmem:s21+$0x70B0]  }
0x43: {  	v11 =	vld [tilespmem:s23+$0xE100];
	[tilespmem:s21+$0x6410] =	vst v9;
	v4 =	vadd.f32 v4, v0  }
0x44: {  	v9 =	vld [tilespmem:s23+$0xE110];
	[tilespmem:s21+$0x6420] =	vst v5;
	v3 =	vadd.f32 v6, v3  }
0x45: {  	v5 =	vld [tilespmem:s23+$0xE120];
	[tilespmem:s21+$0x6430] =	vst v4;
	v2 =	vadd.f32 v7, v2  }
0x46: {  	v4 =	vld [tilespmem:s23+$0xE130];
	[tilespmem:s21+$0x7080] =	vst v3;
	v1 =	vadd.f32 v8, v1  }
0x47: {  	v6 =	vld [tilespmem:s23+$0x1900];
	[tilespmem:s21+$0x7090] =	vst v2;
	v0 =	vadd.f32 v10, v0  }
0x48: {  	v7 =	vld [tilespmem:s23+$0x1910];
	[tilespmem:s21+$0x70A0] =	vst v1;
	v3 =	vmov v11  }
0x49: {  	v8 =	vld [tilespmem:s23+$0x1920];
	[tilespmem:s21+$0x70B0] =	vst v0;
	v2 =	vmov v9;
	s21 =	smov.u32 s23  }
0x4a: {  	v9 =	vld [tilespmem:s21+$0x1930];
	v1 =	vmov v5  }
0x4b: {  	v5 =	vld [tilespmem:s21+$0x2580];
	v0 =	vmov v4  }
0x4c: {  	v4 =	vadd.f32 v6, v3;
	v6 =	vld [tilespmem:s21+$0x2590]  }
0x4d: {  	v7 =	vadd.f32 v7, v2;
	v10 =	vld [tilespmem:s21+$0x25A0]  }
0x4e: {  	[tilespmem:s21+$0x1900] =	vst v4;
	v4 =	vadd.f32 v8, v1;
	v8 =	vld [tilespmem:s21+$0x25B0]  }
0x4f: {  	[tilespmem:s21+$0x1910] =	vst v7;
	v7 =	vadd.f32 v9, v0;
	v9 =	vld [tilespmem:s21+$0x3200]  }
0x50: {  	[tilespmem:s21+$0x1920] =	vst v4;
	v4 =	vadd.f32 v5, v3;
	v5 =	vld [tilespmem:s21+$0x3210]  }
0x51: {  	[tilespmem:s21+$0x1930] =	vst v7;
	v6 =	vadd.f32 v6, v2;
	v7 =	vld [tilespmem:s21+$0x3220]  }
0x52: {  	[tilespmem:s21+$0x2580] =	vst v4;
	v4 =	vadd.f32 v10, v1;
	v10 =	vld [tilespmem:s21+$0x3230]  }
0x53: {  	[tilespmem:s21+$0x2590] =	vst v6;
	v6 =	vadd.f32 v8, v0;
	v8 =	vld [tilespmem:s21+$0x3E80]  }
0x54: {  	[tilespmem:s21+$0x25A0] =	vst v4;
	v4 =	vadd.f32 v9, v3;
	v9 =	vld [tilespmem:s21+$0x3E90]  }
0x55: {  	[tilespmem:s21+$0x25B0] =	vst v6;
	v5 =	vadd.f32 v5, v2;
	v6 =	vld [tilespmem:s21+$0x3EA0]  }
0x56: {  	[tilespmem:s21+$0x3200] =	vst v4;
	v4 =	vadd.f32 v7, v1;
	v7 =	vld [tilespmem:s21+$0x3EB0]  }
0x57: {  	[tilespmem:s21+$0x3210] =	vst v5;
	v5 =	vadd.f32 v10, v0;
	v10 =	vld [tilespmem:s21+$0x4B00]  }
0x58: {  	[tilespmem:s21+$0x3220] =	vst v4;
	v4 =	vadd.f32 v8, v3;
	v8 =	vld [tilespmem:s21+$0x4B10]  }
0x59: {  	[tilespmem:s21+$0x3230] =	vst v5;
	v5 =	vadd.f32 v9, v2;
	v9 =	vld [tilespmem:s21+$0x4B20]  }
0x5a: {  	[tilespmem:s21+$0x3E80] =	vst v4;
	v4 =	vadd.f32 v6, v1;
	v6 =	vld [tilespmem:s21+$0x4B30]  }
0x5b: {  	[tilespmem:s21+$0x3E90] =	vst v5;
	v5 =	vadd.f32 v7, v0;
	v7 =	vld [tilespmem:s21+$0x5780]  }
0x5c: {  	[tilespmem:s21+$0x3EA0] =	vst v4;
	v4 =	vadd.f32 v10, v3;
	v10 =	vld [tilespmem:s21+$0x5790]  }
0x5d: {  	[tilespmem:s21+$0x3EB0] =	vst v5;
	v5 =	vadd.f32 v8, v2;
	v8 =	vld [tilespmem:s21+$0x57A0]  }
0x5e: {  	[tilespmem:s21+$0x4B00] =	vst v4;
	v4 =	vadd.f32 v9, v1;
	v9 =	vld [tilespmem:s21+$0x57B0]  }
0x5f: {  	[tilespmem:s21+$0x4B10] =	vst v5;
	v5 =	vadd.f32 v6, v0;
	v11 =	vld [tilespmem:s21+$0x6400]  }
0x60: {  	[tilespmem:s21+$0x4B20] =	vst v4;
	v4 =	vadd.f32 v7, v3;
	v12 =	vld [tilespmem:s21+$0x6410]  }
.Ltmp0:
0x61: {  	[tilespmem:s21+$0x4B30] =	vst v5;
	v6 =	vadd.f32 v10, v2;
	v5 =	vld [tilespmem:s21+$0x6420];
	(pc) =	sbr.rel @p0 .LBB2_3-.Ltmp0, $4  }
0x62: {  	[tilespmem:s21+$0x5780] =	vst v4;
	v7 =	vadd.f32 v8, v1;
	v4 =	vld [tilespmem:s21+$0x6430]  }
0x63: {  	[tilespmem:s21+$0x5790] =	vst v6;
	v8 =	vadd.f32 v9, v0;
	v6 =	vld [tilespmem:s21+$0x7080]  }
0x64: {  	[tilespmem:s21+$0x57A0] =	vst v7;
	v10 =	vadd.f32 v11, v3;
	v7 =	vld [tilespmem:s21+$0x7090]  }
0x65: {  	s22 =	sadd.s32 $0x100, s22;
	[tilespmem:s21+$0x57B0] =	vst v8;
	v9 =	vadd.f32 v12, v2;
	v8 =	vld [tilespmem:s21+$0x70A0]  }
0x66: {  	[tilespmem:s21+$0x6400] =	vst v10;
	v5 =	vadd.f32 v5, v1;
	v10 =	vld [tilespmem:s21+$0x70B0]  }
0x67: {  	[tilespmem:s21+$0x6410] =	vst v9;
	v4 =	vadd.f32 v4, v0  }
0x68: {  	[tilespmem:s21+$0x6420] =	vst v5;
	v3 =	vadd.f32 v6, v3  }
0x69: {  	s22 =	smul.u32 $0x320, s19;
	[tilespmem:s21+$0x6430] =	vst v4;
	v2 =	vadd.f32 v7, v2  }
0x6a: {  	[tilespmem:s21+$0x7080] =	vst v3;
	v1 =	vadd.f32 v8, v1  }
0x6b: {  	s22 =	sadd.s32 s4, s22;
	[tilespmem:s21+$0x7090] =	vst v2;
	v0 =	vadd.f32 v10, v0  }
0x6c: {  	p0 =	seq.s32 s19, $0x7;
	s22 =	sshll.u32 s22, $0x3;
	[tilespmem:s21+$0x70A0] =	vst v1  }
0x6d: {  	s31 =	sadd.s32 s2, s22;
	[tilespmem:s21+$0x70B0] =	vst v0;
	s21 =	smul.u32 @!p0 $0xC80, s19  }
0x6e: {  	[hbm4b:s31+s3] =	stream.linear.scatter [tilespmem:s12], [sflag:$0x3], $0x6400, $0x38;
	[tilespmem:$0xED80] =	vst v63  }
0x6f: {  	_ =	swait.ge [sflag:s15], $0x6400  }
0x70: {  	s23 =	simm.s32 @!p0 $0x1900;
	s21 =	sshra.s32 @!p0 s21, $0x2;
	[sflag:s15] =	ssyncset.done $0x0  }
0x71: {  	s22 =	simm.s32 @!p0 $0x190;
	s21 =	sadd.s32 @!p0 $0x320, s21;
	[sflag:s15] =	ssyncadd.s32 $0xFFFF9C00  }
0x72: {  	[tilespmem:s23], [sflag:$0x1] =	stream.indirect.gather @!p0 [hbm4b:s5+s22], $0x40, s21, s22, $0xb8;
	[tilespmem:$0xED80] =	vst v63  }
0x73: {  	_ =	swait.ge [sflag:s16], $0x6400  }
0x74: {  	[sflag:s16] =	ssyncset.done $0x0  }
0x75: {  	s21 =	simm.s32 $0x0;
	[sflag:s16] =	ssyncadd.s32 $0xFFFF9C00  }
0x76: {  	v3 =	vld [tilespmem:s21+$0xE100]  }
0x77: {  	v2 =	vld [tilespmem:s21+$0xE110]  }
0x78: {  	v1 =	vld [tilespmem:s21+$0xE120]  }
0x79: {  	v0 =	vld [tilespmem:s21+$0xE130]  }
0x7a: {  	v4 =	vld [tilespmem:s21+$0x7D00]  }
0x7b: {  	v5 =	vld [tilespmem:s21+$0x7D10]  }
0x7c: {  	v6 =	vld [tilespmem:s21+$0x7D20]  }
0x7d: {  	v7 =	vld [tilespmem:s21+$0x7D30]  }
0x7e: {  	v8 =	vld [tilespmem:s21+$0x8980]  }
0x7f: {  	v9 =	vld [tilespmem:s21+$0x8990];
	v4 =	vadd.f32 v4, v3  }
0x80: {  	v10 =	vld [tilespmem:s21+$0x89A0];
	v5 =	vadd.f32 v5, v2  }
0x81: {  	v6 =	vadd.f32 v6, v1;
	[tilespmem:s21+$0x7D00] =	vst v4;
	v4 =	vld [tilespmem:s21+$0x89B0]  }
0x82: {  	v7 =	vadd.f32 v7, v0;
	[tilespmem:s21+$0x7D10] =	vst v5;
	v5 =	vld [tilespmem:s21+$0x9600]  }
0x83: {  	v8 =	vadd.f32 v8, v3;
	[tilespmem:s21+$0x7D20] =	vst v6;
	v6 =	vld [tilespmem:s21+$0x9610]  }
0x84: {  	v9 =	vadd.f32 v9, v2;
	[tilespmem:s21+$0x7D30] =	vst v7;
	v7 =	vld [tilespmem:s21+$0x9620]  }
0x85: {  	v10 =	vadd.f32 v10, v1;
	[tilespmem:s21+$0x8980] =	vst v8;
	v8 =	vld [tilespmem:s21+$0x9630]  }
0x86: {  	[tilespmem:s21+$0x8990] =	vst v9;
	v9 =	vld [tilespmem:s21+$0xA280];
	v4 =	vadd.f32 v4, v0  }
0x87: {  	[tilespmem:s21+$0x89A0] =	vst v10;
	v10 =	vld [tilespmem:s21+$0xA290];
	v5 =	vadd.f32 v5, v3  }
0x88: {  	v6 =	vadd.f32 v6, v2;
	[tilespmem:s21+$0x89B0] =	vst v4;
	v4 =	vld [tilespmem:s21+$0xA2A0]  }
0x89: {  	v7 =	vadd.f32 v7, v1;
	[tilespmem:s21+$0x9600] =	vst v5;
	v5 =	vld [tilespmem:s21+$0xA2B0]  }
0x8a: {  	v8 =	vadd.f32 v8, v0;
	[tilespmem:s21+$0x9610] =	vst v6;
	v6 =	vld [tilespmem:s21+$0xAF00]  }
0x8b: {  	v9 =	vadd.f32 v9, v3;
	[tilespmem:s21+$0x9620] =	vst v7;
	v7 =	vld [tilespmem:s21+$0xAF10]  }
0x8c: {  	v10 =	vadd.f32 v10, v2;
	[tilespmem:s21+$0x9630] =	vst v8;
	v8 =	vld [tilespmem:s21+$0xAF20]  }
0x8d: {  	[tilespmem:s21+$0xA280] =	vst v9;
	v9 =	vld [tilespmem:s21+$0xAF30];
	v4 =	vadd.f32 v4, v1  }
0x8e: {  	[tilespmem:s21+$0xA290] =	vst v10;
	v10 =	vld [tilespmem:s21+$0xBB80]  }
0x8f: {  	v5 =	vadd.f32 v5, v0;
	[tilespmem:s21+$0xA2A0] =	vst v4;
	v4 =	vld [tilespmem:s21+$0xBB90]  }
0x90: {  	v6 =	vadd.f32 v6, v3  }
0x91: {  	[tilespmem:s21+$0xA2B0] =	vst v5;
	v5 =	vadd.f32 v7, v2;
	v7 =	vld [tilespmem:s21+$0xBBB0]  }
0x92: {  	v11 =	vld [tilespmem:s21+$0xBBA0];
	[tilespmem:s21+$0xAF00] =	vst v6;
	v6 =	vadd.f32 v8, v1  }
0x93: {  	v8 =	vld [tilespmem:s21+$0xC800];
	[tilespmem:s21+$0xAF10] =	vst v5;
	v5 =	vadd.f32 v9, v0  }
0x94: {  	[tilespmem:s21+$0xAF20] =	vst v6;
	v9 =	vld [tilespmem:s21+$0xC810];
	v6 =	vadd.f32 v10, v3;
	v10 =	vadd.f32 v4, v2  }
0x95: {  	[tilespmem:s21+$0xAF30] =	vst v5;
	v5 =	vld [tilespmem:s21+$0xC820]  }
0x96: {  	v4 =	vld [tilespmem:s21+$0xC830];
	[tilespmem:s21+$0xBB90] =	vst v10;
	v10 =	vadd.f32 v7, v0  }
0x97: {  	v11 =	vadd.f32 v11, v1;
	[tilespmem:s21+$0xBB80] =	vst v6;
	v6 =	vld [tilespmem:s21+$0xD480]  }
0x98: {  	v7 =	vld [tilespmem:s21+$0xD490];
	[tilespmem:s21+$0xBBB0] =	vst v10;
	v10 =	vadd.f32 v8, v3  }
0x99: {  	s22 =	simm.s32 $0x100;
	[tilespmem:s21+$0xBBA0] =	vst v11;
	v9 =	vadd.f32 v9, v2;
	v8 =	vld [tilespmem:s21+$0xD4A0]  }
.LBB2_5:
0x9a: {  	s23 =	sshra.s32 s22, $0x2;
	p0 =	sne.s32 s22, $0x3100;
	[tilespmem:s21+$0xC800] =	vst v10;
	v5 =	vadd.f32 v5, v1;
	v10 =	vld [tilespmem:s21+$0xD4B0]  }
0x9b: {  	v11 =	vld [tilespmem:s23+$0xE100];
	[tilespmem:s21+$0xC810] =	vst v9;
	v4 =	vadd.f32 v4, v0  }
0x9c: {  	v9 =	vld [tilespmem:s23+$0xE110];
	[tilespmem:s21+$0xC820] =	vst v5;
	v3 =	vadd.f32 v6, v3  }
0x9d: {  	v5 =	vld [tilespmem:s23+$0xE120];
	[tilespmem:s21+$0xC830] =	vst v4;
	v2 =	vadd.f32 v7, v2  }
0x9e: {  	v4 =	vld [tilespmem:s23+$0xE130];
	[tilespmem:s21+$0xD480] =	vst v3;
	v1 =	vadd.f32 v8, v1  }
0x9f: {  	v6 =	vld [tilespmem:s23+$0x7D00];
	[tilespmem:s21+$0xD490] =	vst v2;
	v0 =	vadd.f32 v10, v0  }
0xa0: {  	v7 =	vld [tilespmem:s23+$0x7D10];
	[tilespmem:s21+$0xD4A0] =	vst v1;
	v3 =	vmov v11  }
0xa1: {  	v8 =	vld [tilespmem:s23+$0x7D20];
	[tilespmem:s21+$0xD4B0] =	vst v0;
	v2 =	vmov v9;
	s21 =	smov.u32 s23  }
0xa2: {  	v9 =	vld [tilespmem:s21+$0x7D30];
	v1 =	vmov v5  }
0xa3: {  	v5 =	vld [tilespmem:s21+$0x8980];
	v0 =	vmov v4  }
0xa4: {  	v4 =	vadd.f32 v6, v3;
	v6 =	vld [tilespmem:s21+$0x8990]  }
0xa5: {  	v7 =	vadd.f32 v7, v2;
	v10 =	vld [tilespmem:s21+$0x89A0]  }
0xa6: {  	[tilespmem:s21+$0x7D00] =	vst v4;
	v4 =	vadd.f32 v8, v1;
	v8 =	vld [tilespmem:s21+$0x89B0]  }
0xa7: {  	[tilespmem:s21+$0x7D10] =	vst v7;
	v7 =	vadd.f32 v9, v0;
	v9 =	vld [tilespmem:s21+$0x9600]  }
0xa8: {  	[tilespmem:s21+$0x7D20] =	vst v4;
	v4 =	vadd.f32 v5, v3;
	v5 =	vld [tilespmem:s21+$0x9610]  }
0xa9: {  	[tilespmem:s21+$0x7D30] =	vst v7;
	v6 =	vadd.f32 v6, v2;
	v7 =	vld [tilespmem:s21+$0x9620]  }
0xaa: {  	[tilespmem:s21+$0x8980] =	vst v4;
	v4 =	vadd.f32 v10, v1;
	v10 =	vld [tilespmem:s21+$0x9630]  }
0xab: {  	[tilespmem:s21+$0x8990] =	vst v6;
	v6 =	vadd.f32 v8, v0;
	v8 =	vld [tilespmem:s21+$0xA280]  }
0xac: {  	[tilespmem:s21+$0x89A0] =	vst v4;
	v4 =	vadd.f32 v9, v3;
	v9 =	vld [tilespmem:s21+$0xA290]  }
0xad: {  	[tilespmem:s21+$0x89B0] =	vst v6;
	v5 =	vadd.f32 v5, v2;
	v6 =	vld [tilespmem:s21+$0xA2A0]  }
0xae: {  	[tilespmem:s21+$0x9600] =	vst v4;
	v4 =	vadd.f32 v7, v1;
	v7 =	vld [tilespmem:s21+$0xA2B0]  }
0xaf: {  	[tilespmem:s21+$0x9610] =	vst v5;
	v5 =	vadd.f32 v10, v0;
	v10 =	vld [tilespmem:s21+$0xAF00]  }
0xb0: {  	[tilespmem:s21+$0x9620] =	vst v4;
	v4 =	vadd.f32 v8, v3;
	v8 =	vld [tilespmem:s21+$0xAF10]  }
0xb1: {  	[tilespmem:s21+$0x9630] =	vst v5;
	v5 =	vadd.f32 v9, v2;
	v9 =	vld [tilespmem:s21+$0xAF20]  }
0xb2: {  	[tilespmem:s21+$0xA280] =	vst v4;
	v4 =	vadd.f32 v6, v1;
	v6 =	vld [tilespmem:s21+$0xAF30]  }
0xb3: {  	[tilespmem:s21+$0xA290] =	vst v5;
	v5 =	vadd.f32 v7, v0;
	v7 =	vld [tilespmem:s21+$0xBB80]  }
0xb4: {  	[tilespmem:s21+$0xA2A0] =	vst v4;
	v4 =	vadd.f32 v10, v3;
	v10 =	vld [tilespmem:s21+$0xBB90]  }
0xb5: {  	[tilespmem:s21+$0xA2B0] =	vst v5;
	v5 =	vadd.f32 v8, v2;
	v8 =	vld [tilespmem:s21+$0xBBA0]  }
0xb6: {  	[tilespmem:s21+$0xAF00] =	vst v4;
	v4 =	vadd.f32 v9, v1;
	v9 =	vld [tilespmem:s21+$0xBBB0]  }
0xb7: {  	[tilespmem:s21+$0xAF10] =	vst v5;
	v5 =	vadd.f32 v6, v0;
	v11 =	vld [tilespmem:s21+$0xC800]  }
0xb8: {  	[tilespmem:s21+$0xAF20] =	vst v4;
	v4 =	vadd.f32 v7, v3;
	v12 =	vld [tilespmem:s21+$0xC810]  }
.Ltmp1:
0xb9: {  	[tilespmem:s21+$0xAF30] =	vst v5;
	v6 =	vadd.f32 v10, v2;
	v5 =	vld [tilespmem:s21+$0xC820];
	(pc) =	sbr.rel @p0 .LBB2_5-.Ltmp1, $4  }
0xba: {  	[tilespmem:s21+$0xBB80] =	vst v4;
	v7 =	vadd.f32 v8, v1;
	v4 =	vld [tilespmem:s21+$0xC830]  }
0xbb: {  	[tilespmem:s21+$0xBB90] =	vst v6;
	v8 =	vadd.f32 v9, v0;
	v6 =	vld [tilespmem:s21+$0xD480]  }
0xbc: {  	[tilespmem:s21+$0xBBA0] =	vst v7;
	v10 =	vadd.f32 v11, v3;
	v7 =	vld [tilespmem:s21+$0xD490]  }
0xbd: {  	s22 =	sadd.s32 $0x100, s22;
	[tilespmem:s21+$0xBBB0] =	vst v8;
	v9 =	vadd.f32 v12, v2;
	v8 =	vld [tilespmem:s21+$0xD4A0]  }
0xbe: {  	[tilespmem:s21+$0xC800] =	vst v10;
	v5 =	vadd.f32 v5, v1;
	v61 =	vld [tilespmem:s21+$0xD4B0]  }
0xbf: {  	[tilespmem:s21+$0xC810] =	vst v9;
	v4 =	vadd.f32 v4, v0  }
0xc0: {  	s20 =	smul.u32 $0x190, s20;
	s19 =	sadd.s32 $0x1, s19;
	[tilespmem:s21+$0xC820] =	vst v5;
	v3 =	vadd.f32 v6, v3  }
0xc1: {  	p0 =	sne.s32 s19, $0x8;
	[tilespmem:s21+$0xC830] =	vst v4;
	v2 =	vadd.f32 v7, v2  }
.Ltmp2:
0xc2: {  	s20 =	sadd.s32 s4, s20;
	[tilespmem:s21+$0xD480] =	vst v3;
	v62 =	vadd.f32 v8, v1;
	(pc) =	sbr.rel @p0 .LBB2_2-.Ltmp2, $4  }
0xc3: {  	s20 =	sshll.u32 s20, $0x3;
	[tilespmem:s21+$0xD490] =	vst v2;
	v63 =	vadd.f32 v61, v0  }
0xc4: {  	s20 =	sand.u32 $0x1FFFFF80, s20;
	[tilespmem:s21+$0xD4A0] =	vst v62  }
0xc5: {  	s20 =	sadd.s32 s2, s20;
	[tilespmem:s21+$0xD4B0] =	vst v63  }
0xc6: {  	[hbm4b:s20+s3] =	stream.linear.scatter [tilespmem:s13], [sflag:$0x4], $0x6400, $0x38;
	[tilespmem:$0xED80] =	vst v63  }
0xc7: {  	s18 =	sadd.s32 $0x1, s18  }
0xc8: {  	p0 =	sne.s32 s18, s8  }
.Ltmp3:
0xc9: {  	_ = 	snop;
	(pc) =	sbr.rel @p0 .LBB2_1-.Ltmp3, $4  }
0xca: {  	_ = 	snop  }
0xcb: {  	_ =	swait.ge [sflag:s17], $0x6400  }
0xcc: {  	[sflag:s17] =	ssyncset.done $0x0  }
0xcd: {  	[sflag:s17] =	ssyncadd.s32 $0xFFFF9C00  }
0xce: {  	_ =	sfence.sel $0x180000  }
0xcf: {  	[bflag:$0x0] =	sbarrier.arrive $0xFFFF  }
0xd0: {  	p0 =	sne.s32 s0, $0x0;
	_ =	strace $0x90000047  }
0xd1: {  	s0 =	sadd.s32 @!p0 $0x100000, s1;
	[bflag:$0x2] =	sbarrier.arrive $0xFFFF  }
0xd2: {  	[sflag:s0] =	ssyncadd.tile.s32 @!p0 $0x1;
	_ =	shalt  }
.Lfunc_end2:
_tile_overlayer_lowered:
.L_overlay_start_2:
0xd3: {  	(tag) =	ssettag $0x2  }
0xd4: {  	s0 =	rddreg [dreg:$0x0];
	s2 =	stileid.u32  }
0xd5: {  	s1 =	rddreg [dreg:$0x1];
	p0 =	sne.s32 s2, $0x0  }
0xd6: {  	s3 =	rddreg [dreg:$0x2];
	[bflag:$0x3] =	sbarrier.arrive $0xFFFF;
	s2 =	simm.s32 @!p0 $0x1C05  }
0xd7: {  	[timem:s3], [sflag:s2] =	dma.local @!p0 [hbm:s0], s1  }
0xd8: {  	s0 =	simm.s32 @!p0 $0x5  }
0xd9: {  	_ =	swait.ge @!p0 [sflag:s0], s1  }
0xda: {  	s1 =	ssub.s32 @!p0 $0x0, s1;
	[sflag:s0] =	ssyncset.done @!p0 $0x0  }
0xdb: {  	[sflag:s0] =	ssyncadd.s32 @!p0 s1  }
0xdc: {  	[bflag:$0x3] =	sbarrier.arrive $0xFFFF  }
0xdd: {  	_ =	shalt  }

// kernel: sparse-core-data-format-call.cloned.1.call-start
scs
called_computation_lowered:
.L_overlay_start_0:
0x0: {  	s2 =	sld [smem:$0x3FD9]  }
0x1: {  	s3 =	sld [smem:$0x3FFE];
	_ =	sdelay $0x1  }
0x2: {  	s1 =	srdreg.scid  }
0x3: {  	s0 =	sand.u32 $0x1, s1  }
0x4: {  	s18 =	sshll.u32 s0, $0xA;
	s2 =	sadd.s32 s3, s2  }
0x5: {  	s2 =	sadd.s32 s2, s18  }
0x6: {  	[smem:$0x3FC6] =	sst s2  }
0x7: {  	_ = 	snop  }
0x8: {  	s2 =	sld [smem:$0x3FD0];
	(tm) =	ssettm $0x1  }
0x9: {  	s19 =	sld [smem:$0x3FFB];
	_ =	sdelay $0x3  }
0xa: {  	_ =	strace s19  }
0xb: {  	s3 =	sld [smem:$0x3FFC];
	_ =	sdelay $0x3  }
0xc: {  	_ =	strace s3  }
0xd: {  	s3 =	sld [smem:$0x3FFD];
	_ =	sdelay $0x3  }
0xe: {  	_ =	strace s3  }
0xf: {  	_ =	strace $0x8FFFFFFF  }
0x10: {  	s20 =	sld [smem:$0x3FDB];
	_ =	sdelay $0x1  }
0x11: {  	s4 =	simm.s32 $_scs_section_size  }
0x12: {  	s5 =	simm.s32 $_size__tile_overlayer_lowered;
	s6 =	simm.s32 $_tile_overlayer_lowered  }
0x13: {  	s23 =	simm.s32 $0x1BFF;
	s22 =	sshll.u32 s6, $0x1;
	s3 =	sadd.s32 s4, s20  }
0x14: {  	s7 =	simm.s32 $0x0;
	s21 =	sshll.u32 s5, $0x1;
	s5 =	sadd.s32 s22, s3  }
0x15: {  	[timem:s7], [sflag:s23] =	dma.local [hbm:s5], s21  }
0x16: {  	_ =	swait.ge [sflag:s23], s21  }
0x17: {  	s4 =	ssub.s32 $0x0, s21;
	[sflag:s23] =	ssyncset.done $0x0  }
0x18: {  	[sflag:s23] =	ssyncadd.s32 s4;
	_ =	sdelay $0x1  }
0x19: {  	s24 =	simm.s32 $0x1B8B  }
0x1a: {  	_ =	swait.ge [sflag:s24], $0x1  }
0x1b: {  	[sflag:s24] =	ssyncset.done $0x0  }
0x1c: {  	s26 =	simm.s32 $0x1B8E;
	s25 =	sld [smem:$0x3FFE];
	[sflag:s24] =	ssyncadd.s32 $0xFFFFFFFF  }
0x1d: {  	s27 =	simm.s32 $execute0_lowered;
	[smem:$0x3FD2] =	sst s26  }
0x1e: {  	s5 =	sshll.u32 s27, $0x1;
	_ =	strace $0x80000049;
	[dreg:$0x1] =	wrdreg $0xFFFFFFFF  }
0x1f: {  	s28 =	simm.s32 $_size_execute0_lowered;
	s3 =	sadd.s32 s3, s5;
	[dreg:$0x0] =	wrdreg $0x0  }
0x20: {  	s5 =	sshll.u32 s28, $0x1;
	[dreg:$0x2] =	wrdreg s3  }
0x21: {  	[dreg:$0x3] =	wrdreg s5  }
0x22: {  	[dreg:$0x4] =	wrdreg $0xC0  }
0x23: {  	_ =	task [dreg:s7], $0x5FFFF  }
0x24: {  	[dreg:$0x1] =	wrdreg $0xFFFFFFFF  }
0x25: {  	[dreg:$0x0] =	wrdreg $0x60  }
0x26: {  	[dreg:$0x2] =	wrdreg s25  }
0x27: {  	[dreg:$0x3] =	wrdreg s2  }
0x28: {  	[dreg:$0x4] =	wrdreg $0x9  }
0x29: {  	_ =	task.clear_ibuf [dreg:s7], $0x5FFFF;
	_ =	strace $0x90000049  }
0x2a: {  	s29 =	simm.s32 $0x9;
	_ =	strace $0x8000004B  }
0x2b: {  	_ =	swait.ge [sflag:s29], $0x1  }
0x2c: {  	[sflag:s29] =	ssyncadd.s32 $0xFFFFFFFF  }
0x2d: {  	_ =	strace $0x9000004B  }
0x2e: {  	_ =	sfence  }
0x2f: {  	s30 =	sld [smem:$0x0];
	_ =	sdelay $0x2  }
0x30: {  	s31 =	sshll.u32 s1, $0xD;
	s1 =	sshrl.u32 s1, $0x2  }
0x31: {  	s3 =	sand.u32 $0x4000, s31;
	s1 =	sadd.s32 s1, s30  }
0x32: {  	s0 =	sor.u32 s3, s0;
	s1 =	sshll.u32 s1, $0x11  }
0x33: {  	s0 =	sor.u32 s1, s0  }
0x34: {  	s0 =	sadd.s32 $0x8F2B, s0  }
0x35: {  	[sflag:s0] =	ssyncadd.remote.s32 $0x1  }
0x36: {  	_ =	sfence.sel $0xFFFF  }
0x37: {  	[dreg:$0x0] =	wrdreg $0xFFFFFFFF;
	(pc) =	sbr.abs _section_cstart, $3  }
0x38: {  	[dreg:$0x1] =	wrdreg $0xFFFFFFFF  }
0x39: {  	_ =	task.clear_ibuf [dreg:s7], $0x2FFFF;
	_ =	strace $0x9FFFFFFF  }
0x3a: {  	(tm) =	ssettm $0x7FFFFFFF  }
0x3b: {  	_ =	shalt  }
tec
execute0_lowered:
.L_overlay_start_1:
0x0: {  	(tag) =	ssettag $0x1  }
0x1: {  	s0 =	srdreg.scid  }
0x2: {  	s1 =	sshll.u32 s0, $0x4  }
0x3: {  	s0 =	stileid.u32;
	s1 =	sand.u32 $0x10, s1  }
0x4: {  	s1 =	sor.u32 s0, s1  }
0x5: {  	s6 =	rddreg [dreg:$0x0];
	s4 =	simm.s32 $0x1;
	s2 =	sshll.u32 s1, $0x7  }
0x6: {  	s7 =	simm.s32 $0x2;
	s12 =	simm.s32 $0x0;
	s1 =	ssub.s32 $0x1000, s2  }
0x7: {  	s8 =	simm.s32 $0x8000;
	s13 =	simm.s32 $0x0;
	s3 =	sand.u32 $0xF80, s1  }
0x8: {  	s9 =	simm.s32 $0x0;
	s5 =	sshrl.u32 s1, $0xC;
	p0 =	sne.s32 s3, $0x0  }
.Ltmp0:
0x9: {  	s1 =	rddreg [dreg:$0x2];
	s4 =	simm.s32 @!p0 $0x0;
	(pc) =	sbr.rel .LBB1_1-.Ltmp0, $4  }
0xa: {  	s11 =	simm.s32 $0x0;
	s3 =	rddreg [dreg:$0x1];
	s5 =	sadd.s32 s4, s5  }
0xb: {  	_ =	strace $0x8000004A;
	s4 =	simm.s32 $0x1;
	s5 =	smul.u32 $0x32, s5  }
0xc: {  	s6 =	sadd.s32 $0x600, s6;
	s10 =	smov.u32 s2;
	[sflag:s4] =	ssyncpa.u1 $0x0  }
0xd: {  	p0 =	por $0x0, $0x0;
	[sflag:s7] =	ssyncpa.u1 $0x0;
	s7 =	sor.u32 $0x1, s5  }
.LBB1_4:
0xe: {  	s16 =	sshll.u32 s13, $0x3;
	s17 =	sand.u32 $0x78, s13  }
0xf: {  	s30 =	sand.u32 $0x7E00, s13;
	s12 =	sshll.u32 s12, $0xF;
	s16 =	sand.u32 $0xC00, s16  }
0x10: {  	[tilespmem:s15+$0x810 ss:$0x81] =	vst.msk $0xffff, v2;
	s31 =	sand.u32 $0x7, s13;
	s16 =	sor.u32 s17, s16;
	s17 =	sadd.s32 s3, s30  }
0x11: {  	[tilespmem:s15+$0x1020 ss:$0x81] =	vst.msk $0xffff, v0;
	s13 =	sshll.u32 s31, $0x12;
	s12 =	sadd.s32 s12, s17;
	s16 =	sshrl.u32 s16, $0x3  }
0x12: {  	[tilespmem:s15+$0x0 ss:$0x81] =	vst.msk $0xffff, v1;
	s13 =	sor.u32 $0x400, s13;
	s12 =	sadd.s32 s16, s12  }
0x13: {  	[hbm4b:s12+s13] =	stream.strided.scatter [tilespmem:s14], [sflag:$0x2], $0x2000, s8, s13, $0x20;
	[tilespmem:$0x8080] =	vst v63  }
.LBB1_5:
0x14: {  	s14 =	sadd.s32 $0x1, s9  }
0x15: {  	s12 =	sadd.s32 $0x1000, s10;
	s16 =	smov.u32 s10;
	p2 =	sgt.s32 s14, $0x31  }
0x16: {  	s16 =	smov.u32 @p2 s12  }
0x17: {  	s14 =	simm.s32 @p2 $0x0;
	p2 =	sgt.s32 s16, $0xFFF  }
0x18: {  	s16 =	smov.u32 @p2 s2;
	p2 =	sne.s32 s11, s7  }
.Ltmp1:
0x19: {  	p1 =	slt.u32 s11, $0x2;
	(pc) =	sbr.rel @!p2 .LBB1_6-.Ltmp1, $4  }
0x1a: {  	s15 =	simm.s32 @!p1 $0x2  }
0x1b: {  	s13 =	smov.u32 s10;
	p0 =	por !p0, !p0;
	_ =	swait.ge @!p1 [sflag:s15], $0x2000  }
0x1c: {  	s12 =	smov.u32 s9;
	[sflag:s15] =	ssyncset.done @!p1 $0x0;
	s9 =	smov.u32 s14  }
0x1d: {  	s11 =	sadd.s32 $0x1, s11;
	[sflag:s15] =	ssyncadd.s32 @!p1 $0xFFFFE000;
	s10 =	smov.u32 s16  }
.LBB1_1:
0x1e: {  	p1 =	sge.u32 s11, s5  }
0x1f: {  	s14 =	sand.u32 @!p1 $0x1FFFFFF, s9  }
0x20: {  	s15 =	smulhi.u32 @!p1 $0x4924925, s14;
	_ =	sdelay $0x1  }
0x21: {  	s15 =	smul.u32 @!p1 $0x38, s15  }
0x22: {  	s16 =	sxor.u32 @!p1 $0xFFFFFFFF, s11;
	s17 =	smul.u32 @!p1 $0x380, s10  }
0x23: {  	s31 =	sadd.s32 $0xFFFFFFFF, s11;
	s16 =	sshll.u32 @!p1 s16, $0xD;
	s14 =	ssub.s32 @!p1 s14, s15  }
0x24: {  	s15 =	sand.u32 @!p1 $0x2000, s16;
	s16 =	sadd.s32 @!p1 s6, s17;
	s14 =	sshll.u32 @!p1 s14, $0x4  }
0x25: {  	s17 =	simm.s32 @!p1 $0x1C00;
	s14 =	sadd.s32 @!p1 s14, s16;
	s16 =	simm.s32 @!p1 $0x40  }
0x26: {  	[tilespmem:s15], [sflag:$0x1] =	stream.strided.gather @!p1 [hbm4b:s14+s16], $0x2000, s17, s16, $0x38;
	[tilespmem:$0x8080] =	vst v63  }
0x27: {  	p1 =	sge.u32 s31, s5  }
.Ltmp2:
0x28: {  	_ = 	snop;
	(pc) =	sbr.rel @p1 .LBB1_5-.Ltmp2, $1  }
0x29: {  	_ =	sdelay $0x3  }
0x2a: {  	s14 =	simm.s32 $0x1  }
0x2b: {  	_ =	swait.ge [sflag:s4], $0x2000;
	s14 =	simm.s32 @!p0 $0x0  }
0x2c: {  	[sflag:s4] =	ssyncset.done $0x0;
	s15 =	sshll.u32 s14, $0xD  }
0x2d: {  	[sflag:s4] =	ssyncadd.s32 $0xFFFFE000;
	s18 =	sor.u32 $0x20, s15  }
0x2e: {  	s14 =	smul.u32 $0x8100, s14;
	v3 =	vld [tilespmem:s18+$0x10]  }
0x2f: {  	s30 =	sand.u32 $0x1, s11;
	v2 =	vld [tilespmem:s18+$0xFFFFFFF0]  }
0x30: {  	s15 =	smul.u32 $0x8100, s30;
	s14 =	sshrl.u32 s14, $0x2;
	v0 =	vld [tilespmem:s18+$0x0]  }
0x31: {  	v1 =	vld [tilespmem:s18+$0xFFFFFFE0];
	s16 =	sor.u32 $0x4000, s14  }
0x32: {  	s31 =	sshrl.u32 s15, $0x2;
	s15 =	sadd.s32 $0x0, s16  }
0x33: {  	s17 =	simm.s32 $0x4;
	s18 =	sadd.s32 $0x40, s18;
	s14 =	sor.u32 $0x4000, s31;
	[tilespmem:s15+$0x1830 ss:$0x81] =	vst.msk $0xffff, v3  }
.LBB1_3:
0x34: {  	v3 =	vld [tilespmem:s18+$0x10];
	p1 =	sne.s32 s17, $0x1FC;
	[tilespmem:s15+$0x810 ss:$0x81] =	vst.msk $0xffff, v2;
	s19 =	smov.u32 s17;
	s17 =	sadd.s32 $0x4, s17  }
.Ltmp3:
0x35: {  	v2 =	vld [tilespmem:s18+$0xFFFFFFF0];
	[tilespmem:s15+$0x1020 ss:$0x81] =	vst.msk $0xffff, v0;
	(pc) =	sbr.rel @p1 .LBB1_3-.Ltmp3, $4  }
0x36: {  	v0 =	vld [tilespmem:s18+$0x0];
	[tilespmem:s15+$0x0 ss:$0x81] =	vst.msk $0xffff, v1  }
0x37: {  	s15 =	sshra.s32 s19, $0x2;
	v1 =	vld [tilespmem:s18+$0xFFFFFFE0]  }
0x38: {  	s15 =	sadd.s32 s15, s16  }
0x39: {  	s18 =	sadd.s32 $0x40, s18;
	[tilespmem:s15+$0x1830 ss:$0x81] =	vst.msk $0xffff, v3  }
.Ltmp4:
0x3a: {  	_ = 	snop;
	(pc) =	sbr.rel .LBB1_4-.Ltmp4, $1  }
0x3b: {  	_ =	sdelay $0x3  }
.LBB1_6:
0x3c: {  	_ =	sfence.sel $0x180000  }
0x3d: {  	s2 =	simm.s32 $0x1;
	[bflag:$0x0] =	sbarrier.arrive $0xFFFF  }
0x3e: {  	s31 =	simm.s32 $0x2;
	[sflag:s2] =	ssyncpa.u1 $0x1  }
0x3f: {  	[sflag:s31] =	ssyncpa.u1 $0x1  }
0x40: {  	p0 =	sne.s32 s0, $0x0;
	_ =	strace $0x9000004A  }
0x41: {  	s0 =	sadd.s32 @!p0 $0x100000, s1;
	[bflag:$0x2] =	sbarrier.arrive $0xFFFF  }
0x42: {  	[sflag:s0] =	ssyncadd.tile.s32 @!p0 $0x1;
	_ =	shalt  }
.Lfunc_end1:
_tile_overlayer_lowered:
.L_overlay_start_2:
0x43: {  	(tag) =	ssettag $0x2  }
0x44: {  	s0 =	rddreg [dreg:$0x0];
	s2 =	stileid.u32  }
0x45: {  	s1 =	rddreg [dreg:$0x1];
	p0 =	sne.s32 s2, $0x0  }
0x46: {  	s3 =	rddreg [dreg:$0x2];
	[bflag:$0x3] =	sbarrier.arrive $0xFFFF;
	s2 =	simm.s32 @!p0 $0x1C01  }
0x47: {  	[timem:s3], [sflag:s2] =	dma.local @!p0 [hbm:s0], s1  }
0x48: {  	s0 =	simm.s32 @!p0 $0x1  }
0x49: {  	_ =	swait.ge @!p0 [sflag:s0], s1  }
0x4a: {  	s1 =	ssub.s32 @!p0 $0x0, s1;
	[sflag:s0] =	ssyncset.done @!p0 $0x0  }
0x4b: {  	[sflag:s0] =	ssyncadd.s32 @!p0 s1  }
0x4c: {  	[bflag:$0x3] =	sbarrier.arrive $0xFFFF  }
0x4d: {  	_ =	shalt  }

</sc_bundles>
